<compile_context>
chip_gen: v7x
topology: tpu7x:2x2x1
jax: 0.10.2.dev20260603
libtpu: 0.0.44.dev20260713+nightly
codegen_flags: <defaults>
</compile_context>

<pallas_src>
import functools

import jax
import jax.numpy as jnp
from jax import lax
from jax.experimental import pallas as pl
from jax.experimental.pallas import tpu as pltpu
from jax.experimental.pallas import tpu_sc as plsc

IN_DIM = 768
HID = 256
OUT_DIM = 768
E = 16
B = 4096
A = 2 * B
RB_SHIFT = 8
RB = 1 << RB_SHIFT
NBLK = A // RB + E - 1
PAD_N = NBLK * RB
CB = 512
NCH = A // CB

NW = 32
TPW = B // NW
TPH = TPW // 2


def _ln(x, g, b, eps=1e-5):
    m = x.mean(axis=-1, keepdims=True)
    v = ((x - m) ** 2).mean(axis=-1, keepdims=True)
    return (x - m) * lax.rsqrt(v + eps) * g + b


def _router_body(x_ref, Wg1_ref, bg1_ref, Wg2_ref, bg2_ref,
                 pos0_ref, pos1_ref, topw_ref, bexp_ref, braw_ref,
                 oh_ref, rank_ref):
    xb = x_ref[...]
    h = jnp.maximum(jnp.dot(xb, Wg1_ref[...],
                            preferred_element_type=jnp.float32)
                    + bg1_ref[...], 0.0)
    logits = jnp.dot(h, Wg2_ref[...],
                     preferred_element_type=jnp.float32) + bg2_ref[...]
    lane = lax.broadcasted_iota(jnp.int32, (B, E), 1)
    l0 = jnp.max(logits, axis=-1, keepdims=True)
    i0 = jnp.min(jnp.where(logits == l0, lane, E), axis=-1, keepdims=True)
    masked = jnp.where(lane == i0, -jnp.inf, logits)
    l1 = jnp.max(masked, axis=-1, keepdims=True)
    i1 = jnp.min(jnp.where(masked == l1, lane, E), axis=-1, keepdims=True)
    w0 = 1.0 / (1.0 + jnp.exp(l1 - l0))
    topw_ref[...] = jnp.concatenate([w0, 1.0 - w0], axis=1)

    oh_ref[:B, :] = (lane == i0).astype(jnp.float32)
    oh_ref[B:, :] = (lane == i1).astype(jnp.float32)

    r = lax.broadcasted_iota(jnp.int32, (CB, CB), 0)
    c = lax.broadcasted_iota(jnp.int32, (CB, CB), 1)
    tri = (c < r).astype(jnp.float32)

    def body(ci, carry):
        blk = oh_ref[pl.ds(ci * CB, CB), :]
        exc = jnp.dot(tri, blk, preferred_element_type=jnp.float32) + carry
        rank_ref[pl.ds(ci * CB, CB), :] = jnp.sum(blk * exc, axis=1,
                                                  keepdims=True)
        return carry + jnp.sum(blk, axis=0, keepdims=True)

    counts_f = lax.fori_loop(0, NCH, body, jnp.zeros((1, E), jnp.float32))

    counts = counts_f.astype(jnp.int32)
    nb = (counts + (RB - 1)) >> RB_SHIFT
    nb_f = nb.astype(jnp.float32)
    er = lax.broadcasted_iota(jnp.int32, (E, E), 0)
    ec = lax.broadcasted_iota(jnp.int32, (E, E), 1)
    incl = (er <= ec).astype(jnp.float32)
    nbcum = jnp.dot(nb_f, incl, preferred_element_type=jnp.float32)
    seg_start = (nbcum - nb_f) * float(RB)

    jcol = lax.broadcasted_iota(jnp.int32, (NBLK, E), 0).astype(jnp.float32)
    owner = jnp.sum((nbcum <= jcol).astype(jnp.int32), axis=1, keepdims=True)
    bexp_ref[...] = jnp.minimum(owner, E - 1)
    braw_ref[...] = owner

    posall = rank_ref[...] + jnp.sum(oh_ref[...] * seg_start, axis=1,
                                     keepdims=True)
    posi = posall.astype(jnp.int32)
    pos0_ref[...] = posi[:B]
    pos1_ref[...] = posi[B:]


def _router(x, Wg1, bg1, Wg2, bg2):
    full = lambda s: pl.BlockSpec(s, lambda: tuple(0 for _ in s))
    return pl.pallas_call(
        _router_body,
        grid=(),
        in_specs=[full((B, IN_DIM)), full((IN_DIM, HID)), full((1, HID)),
                  full((HID, E)), full((1, E))],
        out_specs=[full((B, 1)), full((B, 1)), full((B, 2)), full((NBLK, 1)),
                   full((NBLK, 1))],
        out_shape=[jax.ShapeDtypeStruct((B, 1), jnp.int32),
                   jax.ShapeDtypeStruct((B, 1), jnp.int32),
                   jax.ShapeDtypeStruct((B, 2), jnp.float32),
                   jax.ShapeDtypeStruct((NBLK, 1), jnp.int32),
                   jax.ShapeDtypeStruct((NBLK, 1), jnp.int32)],
        scratch_shapes=[pltpu.VMEM((A, E), jnp.float32),
                        pltpu.VMEM((A, 1), jnp.float32)],
    )(x, Wg1, bg1.reshape(1, HID), Wg2, bg2.reshape(1, E))


def _scatter_rows_sc(x, pos0, pos1):
    mesh = plsc.VectorSubcoreMesh(core_axis_name="c", subcore_axis_name="s")

    @functools.partial(
        pl.kernel, mesh=mesh,
        out_type=jax.ShapeDtypeStruct((PAD_N, IN_DIM), jnp.float32),
        scratch_types=[pltpu.VMEM((TPW,), jnp.int32),
                       pltpu.VMEM((TPW,), jnp.int32),
                       pltpu.VMEM((TPW, IN_DIM), jnp.float32),
                       pltpu.SemaphoreType.DMA,
                       pltpu.SemaphoreType.DMA,
                       pltpu.SemaphoreType.DMA],
    )
    def k(x_hbm, pos0_hbm, pos1_hbm, xs_hbm, idx0_v, idx1_v, rows_v,
          semx, sem0, sem1):
        wid = lax.axis_index("s") * 2 + lax.axis_index("c")
        base = wid * TPW
        cx = pltpu.async_copy(x_hbm.at[pl.ds(base, TPW)], rows_v, semx)
        pltpu.sync_copy(pos0_hbm.at[pl.ds(base, TPW)], idx0_v)
        pltpu.sync_copy(pos1_hbm.at[pl.ds(base, TPW)], idx1_v)
        cx.wait()
        c0 = pltpu.async_copy(rows_v, xs_hbm.at[idx0_v], sem0)
        c1 = pltpu.async_copy(rows_v, xs_hbm.at[idx1_v], sem1)
        c0.wait()
        c1.wait()

    return k(x, pos0, pos1)


def _mlp_body(bexp_ref, braw_ref, xs_ref, W1_ref, b1_ref, g1_ref, be1_ref,
              W2_ref, b2_ref, g2_ref, be2_ref, W3_ref, b3_ref, out_ref):
    i = pl.program_id(0)

    @pl.when(braw_ref[i] < E)
    def _compute():
        xb = xs_ref[...]
        h1 = jnp.dot(xb, W1_ref[0],
                     preferred_element_type=jnp.float32) + b1_ref[0]
        h1 = jnp.maximum(_ln(h1, g1_ref[0], be1_ref[0]), 0.0)
        h2 = jnp.dot(h1, W2_ref[0],
                     preferred_element_type=jnp.float32) + b2_ref[0]
        h2 = jnp.maximum(_ln(h2, g2_ref[0], be2_ref[0]), 0.0)
        out_ref[...] = (jnp.dot(h2, W3_ref[0],
                                preferred_element_type=jnp.float32)
                        + b3_ref[0])


def _grouped_mlp(bexp, braw, xs, W1, b1, g1, be1, W2, b2, g2, be2, W3, b3):
    ew = lambda i, be, br: (be[i], 0, 0)
    grid_spec = pltpu.PrefetchScalarGridSpec(
        num_scalar_prefetch=2,
        grid=(NBLK,),
        in_specs=[
            pl.BlockSpec((RB, IN_DIM), lambda i, be, br: (i, 0)),
            pl.BlockSpec((1, IN_DIM, HID), ew),
            pl.BlockSpec((1, 1, HID), ew),
            pl.BlockSpec((1, 1, HID), ew),
            pl.BlockSpec((1, 1, HID), ew),
            pl.BlockSpec((1, HID, HID), ew),
            pl.BlockSpec((1, 1, HID), ew),
            pl.BlockSpec((1, 1, HID), ew),
            pl.BlockSpec((1, 1, HID), ew),
            pl.BlockSpec((1, HID, OUT_DIM), ew),
            pl.BlockSpec((1, 1, OUT_DIM), ew),
        ],
        out_specs=pl.BlockSpec((RB, OUT_DIM), lambda i, be, br: (i, 0)),
    )
    return pl.pallas_call(
        _mlp_body,
        grid_spec=grid_spec,
        out_shape=jax.ShapeDtypeStruct((PAD_N, OUT_DIM), jnp.float32),
        compiler_params=pltpu.CompilerParams(
            dimension_semantics=("arbitrary",),
        ),
    )(bexp, braw, xs,
      W1, b1.reshape(E, 1, HID), g1.reshape(E, 1, HID), be1.reshape(E, 1, HID),
      W2, b2.reshape(E, 1, HID), g2.reshape(E, 1, HID), be2.reshape(E, 1, HID),
      W3, b3.reshape(E, 1, OUT_DIM))


def _gather_rows_sc(y, pos0, pos1):
    mesh = plsc.VectorSubcoreMesh(core_axis_name="c", subcore_axis_name="s")

    @functools.partial(
        pl.kernel, mesh=mesh,
        out_type=(jax.ShapeDtypeStruct((B, OUT_DIM), jnp.float32),
                  jax.ShapeDtypeStruct((B, OUT_DIM), jnp.float32)),
        scratch_types=[pltpu.VMEM((TPH,), jnp.int32),
                       pltpu.VMEM((TPH,), jnp.int32),
                       pltpu.VMEM((TPH,), jnp.int32),
                       pltpu.VMEM((TPH,), jnp.int32),
                       pltpu.VMEM((TPH, OUT_DIM), jnp.float32),
                       pltpu.VMEM((TPH, OUT_DIM), jnp.float32),
                       pltpu.SemaphoreType.DMA,
                       pltpu.SemaphoreType.DMA,
                       pltpu.SemaphoreType.DMA,
                       pltpu.SemaphoreType.DMA],
    )
    def k(y_hbm, pos0_hbm, pos1_hbm, y0_hbm, y1_hbm,
          ixa0, ixb0, ixa1, ixb1, bufa, bufb,
          semg_a, semg_b, semw_a, semw_b):
        wid = lax.axis_index("s") * 2 + lax.axis_index("c")
        base = wid * TPW
        pltpu.sync_copy(pos0_hbm.at[pl.ds(base, TPH)], ixa0)
        g0a = pltpu.async_copy(y_hbm.at[ixa0], bufa, semg_a)
        pltpu.sync_copy(pos0_hbm.at[pl.ds(base + TPH, TPH)], ixb0)
        g0b = pltpu.async_copy(y_hbm.at[ixb0], bufb, semg_b)
        pltpu.sync_copy(pos1_hbm.at[pl.ds(base, TPH)], ixa1)
        pltpu.sync_copy(pos1_hbm.at[pl.ds(base + TPH, TPH)], ixb1)
        g0a.wait()
        wa = pltpu.async_copy(bufa, y0_hbm.at[pl.ds(base, TPH)], semw_a)
        g0b.wait()
        wb = pltpu.async_copy(bufb, y0_hbm.at[pl.ds(base + TPH, TPH)], semw_b)
        wa.wait()
        g1a = pltpu.async_copy(y_hbm.at[ixa1], bufa, semg_a)
        wb.wait()
        g1b = pltpu.async_copy(y_hbm.at[ixb1], bufb, semg_b)
        g1a.wait()
        wa = pltpu.async_copy(bufa, y1_hbm.at[pl.ds(base, TPH)], semw_a)
        g1b.wait()
        wb = pltpu.async_copy(bufb, y1_hbm.at[pl.ds(base + TPH, TPH)], semw_b)
        wa.wait()
        wb.wait()

    return k(y, pos0, pos1)


def _combine_body(y0_ref, y1_ref, tw_ref, out_ref):
    tw = tw_ref[...]
    out_ref[...] = tw[:, 0:1] * y0_ref[...] + tw[:, 1:2] * y1_ref[...]


def _combine(y0, y1, topw):
    TBC = 512
    return pl.pallas_call(
        _combine_body,
        grid=(B // TBC,),
        in_specs=[pl.BlockSpec((TBC, OUT_DIM), lambda i: (i, 0)),
                  pl.BlockSpec((TBC, OUT_DIM), lambda i: (i, 0)),
                  pl.BlockSpec((TBC, 2), lambda i: (i, 0))],
        out_specs=pl.BlockSpec((TBC, OUT_DIM), lambda i: (i, 0)),
        out_shape=jax.ShapeDtypeStruct((B, OUT_DIM), jnp.float32),
    )(y0, y1, topw)


def kernel(x, Wg1, bg1, Wg2, bg2, W1, b1, g1, be1, W2, b2, g2, be2, W3, b3):
    pos0, pos1, topw, bexp, braw = _router(x, Wg1, bg1, Wg2, bg2)
    pos0 = pos0.reshape(B)
    pos1 = pos1.reshape(B)
    bexp = bexp.reshape(NBLK)
    braw = braw.reshape(NBLK)
    xs = _scatter_rows_sc(x, pos0, pos1)
    y = _grouped_mlp(bexp, braw, xs, W1, b1, g1, be1, W2, b2, g2, be2, W3, b3)
    y0, y1 = _gather_rows_sc(y, pos0, pos1)
    return _combine(y0, y1, topw)

# --- scband reference (transcript-rebuilt; emitter-appended) ---
"""Pipeline reference for scband-mixture-of-experts-64570538328572 (READ-ONLY COPY).

The authoritative reference and input builder live on the scoring server;
editing this copy changes nothing except your own understanding.
"""

import jax, jax.numpy as jnp
import numpy as np

IN_DIM = 768
HID = 256
OUT_DIM = 768
E = 16
TOPK = 2
B = 4096


def _ln(x, g, b, eps=1e-5):
    m = x.mean(axis=-1, keepdims=True)
    v = ((x - m) ** 2).mean(axis=-1, keepdims=True)
    return (x - m) / jnp.sqrt(v + eps) * g + b


def setup_inputs(seed: int = 0) -> dict:
    key = jax.random.key(seed)
    ks = jax.random.split(key, 16)
    n = lambda k, shape, s=0.02: (jax.random.normal(k, shape, dtype=jnp.float32) * s)
    return {
        "x": jax.random.normal(ks[0], (B, IN_DIM), dtype=jnp.float32),
        "Wg1": n(ks[1], (IN_DIM, HID)),
        "bg1": jnp.zeros((HID,), jnp.float32),
        "Wg2": n(ks[2], (HID, E)),
        "bg2": jnp.zeros((E,), jnp.float32),
        "W1": n(ks[3], (E, IN_DIM, HID)),
        "b1": jnp.zeros((E, HID), jnp.float32),
        "g1": jnp.ones((E, HID), jnp.float32),
        "be1": jnp.zeros((E, HID), jnp.float32),
        "W2": n(ks[4], (E, HID, HID)),
        "b2": jnp.zeros((E, HID), jnp.float32),
        "g2": jnp.ones((E, HID), jnp.float32),
        "be2": jnp.zeros((E, HID), jnp.float32),
        "W3": n(ks[5], (E, HID, OUT_DIM)),
        "b3": jnp.zeros((E, OUT_DIM), jnp.float32),
    }


def reference(x, Wg1, bg1, Wg2, bg2, W1, b1, g1, be1, W2, b2, g2, be2, W3, b3):
    # Gating network (eval mode: no noise, dropout = identity)
    h = jax.nn.relu(x @ Wg1 + bg1)
    logits = h @ Wg2 + bg2
    gates = jax.nn.softmax(logits, axis=-1)
    top_v, top_i = jax.lax.top_k(gates, TOPK)
    top_v = top_v / top_v.sum(axis=-1, keepdims=True)
    # All experts computed densely, then top-k gathered (faithful to torch impl)
    h1 = jnp.einsum('bi,eih->beh', x, W1) + b1[None]
    h1 = jax.nn.relu(_ln(h1, g1[None], be1[None]))
    h2 = jnp.einsum('beh,ehk->bek', h1, W2) + b2[None]
    h2 = jax.nn.relu(_ln(h2, g2[None], be2[None]))
    expert_outputs = jnp.einsum('beh,eho->beo', h2, W3) + b3[None]
    selected = jnp.take_along_axis(expert_outputs, top_i[:, :, None], axis=1)
    out = (selected * top_v[:, :, None]).sum(axis=1)
    return out

if __name__ == "__main__":
    import jax
    _d = setup_inputs()
    print(jax.jit(kernel)(*tuple(_d.values())))

</pallas_src>

<mosaic_0001>
#map = affine_map<(d0, d1) -> (0, 0)>
#map1 = affine_map<(d0, d1) -> (0)>
module attributes {stable_mosaic.version = 14 : i64} {
  func.func @k(%arg0: i32, %arg1: i32, %arg2: memref<12032x768xf32, #tpu.memory_space<hbm>>, %arg3: memref<4096xi32, #tpu.memory_space<hbm>>, %arg4: memref<4096xi32, #tpu.memory_space<hbm>>, %arg5: memref<4096x768xf32, #tpu.memory_space<hbm>>, %arg6: memref<4096x768xf32, #tpu.memory_space<hbm>>, %arg7: memref<64xi32, #tpu.memory_space<vmem>>, %arg8: memref<64xi32, #tpu.memory_space<vmem>>, %arg9: memref<64xi32, #tpu.memory_space<vmem>>, %arg10: memref<64xi32, #tpu.memory_space<vmem>>, %arg11: memref<64x768xf32, #tpu.memory_space<vmem>>, %arg12: memref<64x768xf32, #tpu.memory_space<vmem>>, %arg13: memref<!tpu.dma_semaphore, #tpu.memory_space<semaphore_mem>>, %arg14: memref<!tpu.dma_semaphore, #tpu.memory_space<semaphore_mem>>, %arg15: memref<!tpu.dma_semaphore, #tpu.memory_space<semaphore_mem>>, %arg16: memref<!tpu.dma_semaphore, #tpu.memory_space<semaphore_mem>>) attributes {dimension_semantics = [#tpu.dimension_semantics<core_parallel>, #tpu.dimension_semantics<subcore_parallel>], iteration_bounds = array<i64: 2, 16>, scalar_prefetch = 0 : i64, scratch_operands = 10 : i64, tpu.core_type = #tpu.core_type<sc_vector_subcore>, window_params = [{transform_indices = #map}, {transform_indices = #map1}, {transform_indices = #map1}, {transform_indices = #map}, {transform_indices = #map}]} {
    %mul3A = arith.constant 2 : i32
    %mul3A_0 = arith.muli %arg1, %mul3A : i32
    %add3A = arith.addi %mul3A_0, %arg0 : i32
    %mul3A_1 = arith.constant 128 : i32
    %mul3A_2 = arith.muli %add3A, %mul3A_1 : i32
    "tpu.region"() ({
      %run_scoped3A = tpu.sem_alloc : memref<!tpu.dma_semaphore, #tpu.memory_space<semaphore_mem>>
      %dma_start3A_65 = tpu.memref_slice %arg3[%mul3A_2] : memref<4096xi32, #tpu.memory_space<hbm>> -> memref<64xi32, #tpu.memory_space<hbm>>
      %dma_start3A_66 = tpu.memref_slice %arg3[%mul3A_2] : memref<4096xi32, #tpu.memory_space<hbm>> -> memref<64xi32, #tpu.memory_space<hbm>>
      tpu.enqueue_dma source(%dma_start3A_66 : memref<64xi32, #tpu.memory_space<hbm>>) target(%arg7 : memref<64xi32, #tpu.memory_space<vmem>>) target_semaphore(%run_scoped3A : memref<!tpu.dma_semaphore, #tpu.memory_space<semaphore_mem>>)
      %dma_wait3A_67 = tpu.memref_slice %arg3[%mul3A_2] : memref<4096xi32, #tpu.memory_space<hbm>> -> memref<64xi32, #tpu.memory_space<hbm>>
      %dma_wait3A_68 = tpu.memref_slice %arg3[%mul3A_2] : memref<4096xi32, #tpu.memory_space<hbm>> -> memref<64xi32, #tpu.memory_space<hbm>>
      tpu.wait_dma2 semaphore(%run_scoped3A : memref<!tpu.dma_semaphore, #tpu.memory_space<semaphore_mem>>) src(%dma_wait3A_68 : memref<64xi32, #tpu.memory_space<hbm>>) dst(%arg7 : memref<64xi32, #tpu.memory_space<vmem>>)
      tpu.yield
    }) : () -> ()
    %dma_start3A = arith.constant 0 : i32
    %dma_start3A_3 = arith.constant 0 : i32
    %dma_start3A_4 = tpu.memref_slice %arg2[%dma_start3A, %dma_start3A_3] : memref<12032x768xf32, #tpu.memory_space<hbm>> -> memref<12032x768xf32, #tpu.memory_space<hbm>>
    tpu.enqueue_indirect_dma source(%dma_start3A_4 : memref<12032x768xf32, #tpu.memory_space<hbm>>) target(%arg11 : memref<64x768xf32, #tpu.memory_space<vmem>>) offsets(%arg7 : memref<64xi32, #tpu.memory_space<vmem>>) semaphore(%arg13 : memref<!tpu.dma_semaphore, #tpu.memory_space<semaphore_mem>>)
    %add3A_5 = arith.constant 64 : i32
    %add3A_6 = arith.addi %mul3A_2, %add3A_5 : i32
    "tpu.region"() ({
      %run_scoped3A = tpu.sem_alloc : memref<!tpu.dma_semaphore, #tpu.memory_space<semaphore_mem>>
      %dma_start3A_65 = tpu.memref_slice %arg3[%add3A_6] : memref<4096xi32, #tpu.memory_space<hbm>> -> memref<64xi32, #tpu.memory_space<hbm>>
      %dma_start3A_66 = tpu.memref_slice %arg3[%add3A_6] : memref<4096xi32, #tpu.memory_space<hbm>> -> memref<64xi32, #tpu.memory_space<hbm>>
      tpu.enqueue_dma source(%dma_start3A_66 : memref<64xi32, #tpu.memory_space<hbm>>) target(%arg8 : memref<64xi32, #tpu.memory_space<vmem>>) target_semaphore(%run_scoped3A : memref<!tpu.dma_semaphore, #tpu.memory_space<semaphore_mem>>)
      %dma_wait3A_67 = tpu.memref_slice %arg3[%add3A_6] : memref<4096xi32, #tpu.memory_space<hbm>> -> memref<64xi32, #tpu.memory_space<hbm>>
      %dma_wait3A_68 = tpu.memref_slice %arg3[%add3A_6] : memref<4096xi32, #tpu.memory_space<hbm>> -> memref<64xi32, #tpu.memory_space<hbm>>
      tpu.wait_dma2 semaphore(%run_scoped3A : memref<!tpu.dma_semaphore, #tpu.memory_space<semaphore_mem>>) src(%dma_wait3A_68 : memref<64xi32, #tpu.memory_space<hbm>>) dst(%arg8 : memref<64xi32, #tpu.memory_space<vmem>>)
      tpu.yield
    }) : () -> ()
    %dma_start3A_7 = arith.constant 0 : i32
    %dma_start3A_8 = arith.constant 0 : i32
    %dma_start3A_9 = tpu.memref_slice %arg2[%dma_start3A_7, %dma_start3A_8] : memref<12032x768xf32, #tpu.memory_space<hbm>> -> memref<12032x768xf32, #tpu.memory_space<hbm>>
    tpu.enqueue_indirect_dma source(%dma_start3A_9 : memref<12032x768xf32, #tpu.memory_space<hbm>>) target(%arg12 : memref<64x768xf32, #tpu.memory_space<vmem>>) offsets(%arg8 : memref<64xi32, #tpu.memory_space<vmem>>) semaphore(%arg14 : memref<!tpu.dma_semaphore, #tpu.memory_space<semaphore_mem>>)
    "tpu.region"() ({
      %run_scoped3A = tpu.sem_alloc : memref<!tpu.dma_semaphore, #tpu.memory_space<semaphore_mem>>
      %dma_start3A_65 = tpu.memref_slice %arg4[%mul3A_2] : memref<4096xi32, #tpu.memory_space<hbm>> -> memref<64xi32, #tpu.memory_space<hbm>>
      %dma_start3A_66 = tpu.memref_slice %arg4[%mul3A_2] : memref<4096xi32, #tpu.memory_space<hbm>> -> memref<64xi32, #tpu.memory_space<hbm>>
      tpu.enqueue_dma source(%dma_start3A_66 : memref<64xi32, #tpu.memory_space<hbm>>) target(%arg9 : memref<64xi32, #tpu.memory_space<vmem>>) target_semaphore(%run_scoped3A : memref<!tpu.dma_semaphore, #tpu.memory_space<semaphore_mem>>)
      %dma_wait3A_67 = tpu.memref_slice %arg4[%mul3A_2] : memref<4096xi32, #tpu.memory_space<hbm>> -> memref<64xi32, #tpu.memory_space<hbm>>
      %dma_wait3A_68 = tpu.memref_slice %arg4[%mul3A_2] : memref<4096xi32, #tpu.memory_space<hbm>> -> memref<64xi32, #tpu.memory_space<hbm>>
      tpu.wait_dma2 semaphore(%run_scoped3A : memref<!tpu.dma_semaphore, #tpu.memory_space<semaphore_mem>>) src(%dma_wait3A_68 : memref<64xi32, #tpu.memory_space<hbm>>) dst(%arg9 : memref<64xi32, #tpu.memory_space<vmem>>)
      tpu.yield
    }) : () -> ()
    %add3A_10 = arith.constant 64 : i32
    %add3A_11 = arith.addi %mul3A_2, %add3A_10 : i32
    "tpu.region"() ({
      %run_scoped3A = tpu.sem_alloc : memref<!tpu.dma_semaphore, #tpu.memory_space<semaphore_mem>>
      %dma_start3A_65 = tpu.memref_slice %arg4[%add3A_11] : memref<4096xi32, #tpu.memory_space<hbm>> -> memref<64xi32, #tpu.memory_space<hbm>>
      %dma_start3A_66 = tpu.memref_slice %arg4[%add3A_11] : memref<4096xi32, #tpu.memory_space<hbm>> -> memref<64xi32, #tpu.memory_space<hbm>>
      tpu.enqueue_dma source(%dma_start3A_66 : memref<64xi32, #tpu.memory_space<hbm>>) target(%arg10 : memref<64xi32, #tpu.memory_space<vmem>>) target_semaphore(%run_scoped3A : memref<!tpu.dma_semaphore, #tpu.memory_space<semaphore_mem>>)
      %dma_wait3A_67 = tpu.memref_slice %arg4[%add3A_11] : memref<4096xi32, #tpu.memory_space<hbm>> -> memref<64xi32, #tpu.memory_space<hbm>>
      %dma_wait3A_68 = tpu.memref_slice %arg4[%add3A_11] : memref<4096xi32, #tpu.memory_space<hbm>> -> memref<64xi32, #tpu.memory_space<hbm>>
      tpu.wait_dma2 semaphore(%run_scoped3A : memref<!tpu.dma_semaphore, #tpu.memory_space<semaphore_mem>>) src(%dma_wait3A_68 : memref<64xi32, #tpu.memory_space<hbm>>) dst(%arg10 : memref<64xi32, #tpu.memory_space<vmem>>)
      tpu.yield
    }) : () -> ()
    %dma_wait3A = arith.constant 0 : i32
    %dma_wait3A_12 = arith.constant 0 : i32
    %dma_wait3A_13 = tpu.memref_slice %arg2[%dma_wait3A, %dma_wait3A_12] : memref<12032x768xf32, #tpu.memory_space<hbm>> -> memref<12032x768xf32, #tpu.memory_space<hbm>>
    tpu.wait_indirect_dma semaphore(%arg13 : memref<!tpu.dma_semaphore, #tpu.memory_space<semaphore_mem>>) src(%dma_wait3A_13 : memref<12032x768xf32, #tpu.memory_space<hbm>>) dst(%arg11 : memref<64x768xf32, #tpu.memory_space<vmem>>)
    %dma_start3A_14 = arith.constant 0 : i32
    %dma_start3A_15 = tpu.memref_slice %arg5[%mul3A_2, %dma_start3A_14] : memref<4096x768xf32, #tpu.memory_space<hbm>> -> memref<64x768xf32, #tpu.memory_space<hbm>>
    %dma_start3A_16 = arith.constant 0 : i32
    %dma_start3A_17 = tpu.memref_slice %arg5[%mul3A_2, %dma_start3A_16] : memref<4096x768xf32, #tpu.memory_space<hbm>> -> memref<64x768xf32, #tpu.memory_space<hbm>>
    tpu.enqueue_dma source(%arg11 : memref<64x768xf32, #tpu.memory_space<vmem>>) target(%dma_start3A_17 : memref<64x768xf32, #tpu.memory_space<hbm>>) target_semaphore(%arg15 : memref<!tpu.dma_semaphore, #tpu.memory_space<semaphore_mem>>)
    %dma_wait3A_18 = arith.constant 0 : i32
    %dma_wait3A_19 = arith.constant 0 : i32
    %dma_wait3A_20 = tpu.memref_slice %arg2[%dma_wait3A_18, %dma_wait3A_19] : memref<12032x768xf32, #tpu.memory_space<hbm>> -> memref<12032x768xf32, #tpu.memory_space<hbm>>
    tpu.wait_indirect_dma semaphore(%arg14 : memref<!tpu.dma_semaphore, #tpu.memory_space<semaphore_mem>>) src(%dma_wait3A_20 : memref<12032x768xf32, #tpu.memory_space<hbm>>) dst(%arg12 : memref<64x768xf32, #tpu.memory_space<vmem>>)
    %add3A_21 = arith.constant 64 : i32
    %add3A_22 = arith.addi %mul3A_2, %add3A_21 : i32
    %dma_start3A_23 = arith.constant 0 : i32
    %dma_start3A_24 = tpu.memref_slice %arg5[%add3A_22, %dma_start3A_23] : memref<4096x768xf32, #tpu.memory_space<hbm>> -> memref<64x768xf32, #tpu.memory_space<hbm>>
    %dma_start3A_25 = arith.constant 0 : i32
    %dma_start3A_26 = tpu.memref_slice %arg5[%add3A_22, %dma_start3A_25] : memref<4096x768xf32, #tpu.memory_space<hbm>> -> memref<64x768xf32, #tpu.memory_space<hbm>>
    tpu.enqueue_dma source(%arg12 : memref<64x768xf32, #tpu.memory_space<vmem>>) target(%dma_start3A_26 : memref<64x768xf32, #tpu.memory_space<hbm>>) target_semaphore(%arg16 : memref<!tpu.dma_semaphore, #tpu.memory_space<semaphore_mem>>)
    %dma_wait3A_27 = arith.constant 0 : i32
    %dma_wait3A_28 = tpu.memref_slice %arg5[%mul3A_2, %dma_wait3A_27] : memref<4096x768xf32, #tpu.memory_space<hbm>> -> memref<64x768xf32, #tpu.memory_space<hbm>>
    %dma_wait3A_29 = arith.constant 0 : i32
    %dma_wait3A_30 = tpu.memref_slice %arg5[%mul3A_2, %dma_wait3A_29] : memref<4096x768xf32, #tpu.memory_space<hbm>> -> memref<64x768xf32, #tpu.memory_space<hbm>>
    tpu.wait_dma2 semaphore(%arg15 : memref<!tpu.dma_semaphore, #tpu.memory_space<semaphore_mem>>) src(%arg11 : memref<64x768xf32, #tpu.memory_space<vmem>>) dst(%dma_wait3A_30 : memref<64x768xf32, #tpu.memory_space<hbm>>)
    %dma_start3A_31 = arith.constant 0 : i32
    %dma_start3A_32 = arith.constant 0 : i32
    %dma_start3A_33 = tpu.memref_slice %arg2[%dma_start3A_31, %dma_start3A_32] : memref<12032x768xf32, #tpu.memory_space<hbm>> -> memref<12032x768xf32, #tpu.memory_space<hbm>>
    tpu.enqueue_indirect_dma source(%dma_start3A_33 : memref<12032x768xf32, #tpu.memory_space<hbm>>) target(%arg11 : memref<64x768xf32, #tpu.memory_space<vmem>>) offsets(%arg9 : memref<64xi32, #tpu.memory_space<vmem>>) semaphore(%arg13 : memref<!tpu.dma_semaphore, #tpu.memory_space<semaphore_mem>>)
    %dma_wait3A_34 = arith.constant 0 : i32
    %dma_wait3A_35 = tpu.memref_slice %arg5[%add3A_22, %dma_wait3A_34] : memref<4096x768xf32, #tpu.memory_space<hbm>> -> memref<64x768xf32, #tpu.memory_space<hbm>>
    %dma_wait3A_36 = arith.constant 0 : i32
    %dma_wait3A_37 = tpu.memref_slice %arg5[%add3A_22, %dma_wait3A_36] : memref<4096x768xf32, #tpu.memory_space<hbm>> -> memref<64x768xf32, #tpu.memory_space<hbm>>
    tpu.wait_dma2 semaphore(%arg16 : memref<!tpu.dma_semaphore, #tpu.memory_space<semaphore_mem>>) src(%arg12 : memref<64x768xf32, #tpu.memory_space<vmem>>) dst(%dma_wait3A_37 : memref<64x768xf32, #tpu.memory_space<hbm>>)
    %dma_start3A_38 = arith.constant 0 : i32
    %dma_start3A_39 = arith.constant 0 : i32
    %dma_start3A_40 = tpu.memref_slice %arg2[%dma_start3A_38, %dma_start3A_39] : memref<12032x768xf32, #tpu.memory_space<hbm>> -> memref<12032x768xf32, #tpu.memory_space<hbm>>
    tpu.enqueue_indirect_dma source(%dma_start3A_40 : memref<12032x768xf32, #tpu.memory_space<hbm>>) target(%arg12 : memref<64x768xf32, #tpu.memory_space<vmem>>) offsets(%arg10 : memref<64xi32, #tpu.memory_space<vmem>>) semaphore(%arg14 : memref<!tpu.dma_semaphore, #tpu.memory_space<semaphore_mem>>)
    %dma_wait3A_41 = arith.constant 0 : i32
    %dma_wait3A_42 = arith.constant 0 : i32
    %dma_wait3A_43 = tpu.memref_slice %arg2[%dma_wait3A_41, %dma_wait3A_42] : memref<12032x768xf32, #tpu.memory_space<hbm>> -> memref<12032x768xf32, #tpu.memory_space<hbm>>
    tpu.wait_indirect_dma semaphore(%arg13 : memref<!tpu.dma_semaphore, #tpu.memory_space<semaphore_mem>>) src(%dma_wait3A_43 : memref<12032x768xf32, #tpu.memory_space<hbm>>) dst(%arg11 : memref<64x768xf32, #tpu.memory_space<vmem>>)
    %dma_start3A_44 = arith.constant 0 : i32
    %dma_start3A_45 = tpu.memref_slice %arg6[%mul3A_2, %dma_start3A_44] : memref<4096x768xf32, #tpu.memory_space<hbm>> -> memref<64x768xf32, #tpu.memory_space<hbm>>
    %dma_start3A_46 = arith.constant 0 : i32
    %dma_start3A_47 = tpu.memref_slice %arg6[%mul3A_2, %dma_start3A_46] : memref<4096x768xf32, #tpu.memory_space<hbm>> -> memref<64x768xf32, #tpu.memory_space<hbm>>
    tpu.enqueue_dma source(%arg11 : memref<64x768xf32, #tpu.memory_space<vmem>>) target(%dma_start3A_47 : memref<64x768xf32, #tpu.memory_space<hbm>>) target_semaphore(%arg15 : memref<!tpu.dma_semaphore, #tpu.memory_space<semaphore_mem>>)
    %dma_wait3A_48 = arith.constant 0 : i32
    %dma_wait3A_49 = arith.constant 0 : i32
    %dma_wait3A_50 = tpu.memref_slice %arg2[%dma_wait3A_48, %dma_wait3A_49] : memref<12032x768xf32, #tpu.memory_space<hbm>> -> memref<12032x768xf32, #tpu.memory_space<hbm>>
    tpu.wait_indirect_dma semaphore(%arg14 : memref<!tpu.dma_semaphore, #tpu.memory_space<semaphore_mem>>) src(%dma_wait3A_50 : memref<12032x768xf32, #tpu.memory_space<hbm>>) dst(%arg12 : memref<64x768xf32, #tpu.memory_space<vmem>>)
    %add3A_51 = arith.constant 64 : i32
    %add3A_52 = arith.addi %mul3A_2, %add3A_51 : i32
    %dma_start3A_53 = arith.constant 0 : i32
    %dma_start3A_54 = tpu.memref_slice %arg6[%add3A_52, %dma_start3A_53] : memref<4096x768xf32, #tpu.memory_space<hbm>> -> memref<64x768xf32, #tpu.memory_space<hbm>>
    %dma_start3A_55 = arith.constant 0 : i32
    %dma_start3A_56 = tpu.memref_slice %arg6[%add3A_52, %dma_start3A_55] : memref<4096x768xf32, #tpu.memory_space<hbm>> -> memref<64x768xf32, #tpu.memory_space<hbm>>
    tpu.enqueue_dma source(%arg12 : memref<64x768xf32, #tpu.memory_space<vmem>>) target(%dma_start3A_56 : memref<64x768xf32, #tpu.memory_space<hbm>>) target_semaphore(%arg16 : memref<!tpu.dma_semaphore, #tpu.memory_space<semaphore_mem>>)
    %dma_wait3A_57 = arith.constant 0 : i32
    %dma_wait3A_58 = tpu.memref_slice %arg6[%mul3A_2, %dma_wait3A_57] : memref<4096x768xf32, #tpu.memory_space<hbm>> -> memref<64x768xf32, #tpu.memory_space<hbm>>
    %dma_wait3A_59 = arith.constant 0 : i32
    %dma_wait3A_60 = tpu.memref_slice %arg6[%mul3A_2, %dma_wait3A_59] : memref<4096x768xf32, #tpu.memory_space<hbm>> -> memref<64x768xf32, #tpu.memory_space<hbm>>
    tpu.wait_dma2 semaphore(%arg15 : memref<!tpu.dma_semaphore, #tpu.memory_space<semaphore_mem>>) src(%arg11 : memref<64x768xf32, #tpu.memory_space<vmem>>) dst(%dma_wait3A_60 : memref<64x768xf32, #tpu.memory_space<hbm>>)
    %dma_wait3A_61 = arith.constant 0 : i32
    %dma_wait3A_62 = tpu.memref_slice %arg6[%add3A_52, %dma_wait3A_61] : memref<4096x768xf32, #tpu.memory_space<hbm>> -> memref<64x768xf32, #tpu.memory_space<hbm>>
    %dma_wait3A_63 = arith.constant 0 : i32
    %dma_wait3A_64 = tpu.memref_slice %arg6[%add3A_52, %dma_wait3A_63] : memref<4096x768xf32, #tpu.memory_space<hbm>> -> memref<64x768xf32, #tpu.memory_space<hbm>>
    tpu.wait_dma2 semaphore(%arg16 : memref<!tpu.dma_semaphore, #tpu.memory_space<semaphore_mem>>) src(%arg12 : memref<64x768xf32, #tpu.memory_space<vmem>>) dst(%dma_wait3A_64 : memref<64x768xf32, #tpu.memory_space<hbm>>)
    return
  }
}

#map = affine_map<(d0, d1) -> (0, 0)>
#map1 = affine_map<(d0, d1) -> (0)>
module attributes {stable_mosaic.version = 14 : i64} {
  func.func @k(%arg0: i32, %arg1: i32, %arg2: memref<4096x768xf32, #tpu.memory_space<hbm>>, %arg3: memref<4096xi32, #tpu.memory_space<hbm>>, %arg4: memref<4096xi32, #tpu.memory_space<hbm>>, %arg5: memref<12032x768xf32, #tpu.memory_space<hbm>>, %arg6: memref<128xi32, #tpu.memory_space<vmem>>, %arg7: memref<128xi32, #tpu.memory_space<vmem>>, %arg8: memref<128x768xf32, #tpu.memory_space<vmem>>, %arg9: memref<!tpu.dma_semaphore, #tpu.memory_space<semaphore_mem>>, %arg10: memref<!tpu.dma_semaphore, #tpu.memory_space<semaphore_mem>>, %arg11: memref<!tpu.dma_semaphore, #tpu.memory_space<semaphore_mem>>) attributes {dimension_semantics = [#tpu.dimension_semantics<core_parallel>, #tpu.dimension_semantics<subcore_parallel>], iteration_bounds = array<i64: 2, 16>, scalar_prefetch = 0 : i64, scratch_operands = 6 : i64, tpu.core_type = #tpu.core_type<sc_vector_subcore>, window_params = [{transform_indices = #map}, {transform_indices = #map1}, {transform_indices = #map1}, {transform_indices = #map}]} {
    %mul3A = arith.constant 2 : i32
    %mul3A_0 = arith.muli %arg1, %mul3A : i32
    %add3A = arith.addi %mul3A_0, %arg0 : i32
    %mul3A_1 = arith.constant 128 : i32
    %mul3A_2 = arith.muli %add3A, %mul3A_1 : i32
    %dma_start3A = arith.constant 0 : i32
    %dma_start3A_3 = tpu.memref_slice %arg2[%mul3A_2, %dma_start3A] : memref<4096x768xf32, #tpu.memory_space<hbm>> -> memref<128x768xf32, #tpu.memory_space<hbm>>
    %dma_start3A_4 = arith.constant 0 : i32
    %dma_start3A_5 = tpu.memref_slice %arg2[%mul3A_2, %dma_start3A_4] : memref<4096x768xf32, #tpu.memory_space<hbm>> -> memref<128x768xf32, #tpu.memory_space<hbm>>
    tpu.enqueue_dma source(%dma_start3A_5 : memref<128x768xf32, #tpu.memory_space<hbm>>) target(%arg8 : memref<128x768xf32, #tpu.memory_space<vmem>>) target_semaphore(%arg9 : memref<!tpu.dma_semaphore, #tpu.memory_space<semaphore_mem>>)
    "tpu.region"() ({
      %run_scoped3A = tpu.sem_alloc : memref<!tpu.dma_semaphore, #tpu.memory_space<semaphore_mem>>
      %dma_start3A_21 = tpu.memref_slice %arg3[%mul3A_2] : memref<4096xi32, #tpu.memory_space<hbm>> -> memref<128xi32, #tpu.memory_space<hbm>>
      %dma_start3A_22 = tpu.memref_slice %arg3[%mul3A_2] : memref<4096xi32, #tpu.memory_space<hbm>> -> memref<128xi32, #tpu.memory_space<hbm>>
      tpu.enqueue_dma source(%dma_start3A_22 : memref<128xi32, #tpu.memory_space<hbm>>) target(%arg6 : memref<128xi32, #tpu.memory_space<vmem>>) target_semaphore(%run_scoped3A : memref<!tpu.dma_semaphore, #tpu.memory_space<semaphore_mem>>)
      %dma_wait3A_23 = tpu.memref_slice %arg3[%mul3A_2] : memref<4096xi32, #tpu.memory_space<hbm>> -> memref<128xi32, #tpu.memory_space<hbm>>
      %dma_wait3A_24 = tpu.memref_slice %arg3[%mul3A_2] : memref<4096xi32, #tpu.memory_space<hbm>> -> memref<128xi32, #tpu.memory_space<hbm>>
      tpu.wait_dma2 semaphore(%run_scoped3A : memref<!tpu.dma_semaphore, #tpu.memory_space<semaphore_mem>>) src(%dma_wait3A_24 : memref<128xi32, #tpu.memory_space<hbm>>) dst(%arg6 : memref<128xi32, #tpu.memory_space<vmem>>)
      tpu.yield
    }) : () -> ()
    "tpu.region"() ({
      %run_scoped3A = tpu.sem_alloc : memref<!tpu.dma_semaphore, #tpu.memory_space<semaphore_mem>>
      %dma_start3A_21 = tpu.memref_slice %arg4[%mul3A_2] : memref<4096xi32, #tpu.memory_space<hbm>> -> memref<128xi32, #tpu.memory_space<hbm>>
      %dma_start3A_22 = tpu.memref_slice %arg4[%mul3A_2] : memref<4096xi32, #tpu.memory_space<hbm>> -> memref<128xi32, #tpu.memory_space<hbm>>
      tpu.enqueue_dma source(%dma_start3A_22 : memref<128xi32, #tpu.memory_space<hbm>>) target(%arg7 : memref<128xi32, #tpu.memory_space<vmem>>) target_semaphore(%run_scoped3A : memref<!tpu.dma_semaphore, #tpu.memory_space<semaphore_mem>>)
      %dma_wait3A_23 = tpu.memref_slice %arg4[%mul3A_2] : memref<4096xi32, #tpu.memory_space<hbm>> -> memref<128xi32, #tpu.memory_space<hbm>>
      %dma_wait3A_24 = tpu.memref_slice %arg4[%mul3A_2] : memref<4096xi32, #tpu.memory_space<hbm>> -> memref<128xi32, #tpu.memory_space<hbm>>
      tpu.wait_dma2 semaphore(%run_scoped3A : memref<!tpu.dma_semaphore, #tpu.memory_space<semaphore_mem>>) src(%dma_wait3A_24 : memref<128xi32, #tpu.memory_space<hbm>>) dst(%arg7 : memref<128xi32, #tpu.memory_space<vmem>>)
      tpu.yield
    }) : () -> ()
    %dma_wait3A = arith.constant 0 : i32
    %dma_wait3A_6 = tpu.memref_slice %arg2[%mul3A_2, %dma_wait3A] : memref<4096x768xf32, #tpu.memory_space<hbm>> -> memref<128x768xf32, #tpu.memory_space<hbm>>
    %dma_wait3A_7 = arith.constant 0 : i32
    %dma_wait3A_8 = tpu.memref_slice %arg2[%mul3A_2, %dma_wait3A_7] : memref<4096x768xf32, #tpu.memory_space<hbm>> -> memref<128x768xf32, #tpu.memory_space<hbm>>
    tpu.wait_dma2 semaphore(%arg9 : memref<!tpu.dma_semaphore, #tpu.memory_space<semaphore_mem>>) src(%dma_wait3A_8 : memref<128x768xf32, #tpu.memory_space<hbm>>) dst(%arg8 : memref<128x768xf32, #tpu.memory_space<vmem>>)
    %dma_start3A_9 = arith.constant 0 : i32
    %dma_start3A_10 = arith.constant 0 : i32
    %dma_start3A_11 = tpu.memref_slice %arg5[%dma_start3A_9, %dma_start3A_10] : memref<12032x768xf32, #tpu.memory_space<hbm>> -> memref<12032x768xf32, #tpu.memory_space<hbm>>
    tpu.enqueue_indirect_dma source(%arg8 : memref<128x768xf32, #tpu.memory_space<vmem>>) target(%dma_start3A_11 : memref<12032x768xf32, #tpu.memory_space<hbm>>) offsets(%arg6 : memref<128xi32, #tpu.memory_space<vmem>>) semaphore(%arg10 : memref<!tpu.dma_semaphore, #tpu.memory_space<semaphore_mem>>)
    %dma_start3A_12 = arith.constant 0 : i32
    %dma_start3A_13 = arith.constant 0 : i32
    %dma_start3A_14 = tpu.memref_slice %arg5[%dma_start3A_12, %dma_start3A_13] : memref<12032x768xf32, #tpu.memory_space<hbm>> -> memref<12032x768xf32, #tpu.memory_space<hbm>>
    tpu.enqueue_indirect_dma source(%arg8 : memref<128x768xf32, #tpu.memory_space<vmem>>) target(%dma_start3A_14 : memref<12032x768xf32, #tpu.memory_space<hbm>>) offsets(%arg7 : memref<128xi32, #tpu.memory_space<vmem>>) semaphore(%arg11 : memref<!tpu.dma_semaphore, #tpu.memory_space<semaphore_mem>>)
    %dma_wait3A_15 = arith.constant 0 : i32
    %dma_wait3A_16 = arith.constant 0 : i32
    %dma_wait3A_17 = tpu.memref_slice %arg5[%dma_wait3A_15, %dma_wait3A_16] : memref<12032x768xf32, #tpu.memory_space<hbm>> -> memref<12032x768xf32, #tpu.memory_space<hbm>>
    tpu.wait_indirect_dma semaphore(%arg10 : memref<!tpu.dma_semaphore, #tpu.memory_space<semaphore_mem>>) src(%arg8 : memref<128x768xf32, #tpu.memory_space<vmem>>) dst(%dma_wait3A_17 : memref<12032x768xf32, #tpu.memory_space<hbm>>)
    %dma_wait3A_18 = arith.constant 0 : i32
    %dma_wait3A_19 = arith.constant 0 : i32
    %dma_wait3A_20 = tpu.memref_slice %arg5[%dma_wait3A_18, %dma_wait3A_19] : memref<12032x768xf32, #tpu.memory_space<hbm>> -> memref<12032x768xf32, #tpu.memory_space<hbm>>
    tpu.wait_indirect_dma semaphore(%arg11 : memref<!tpu.dma_semaphore, #tpu.memory_space<semaphore_mem>>) src(%arg8 : memref<128x768xf32, #tpu.memory_space<vmem>>) dst(%dma_wait3A_20 : memref<12032x768xf32, #tpu.memory_space<hbm>>)
    return
  }
}

module attributes {stable_mosaic.version = 14 : i64} {
  func.func @_router_body(%arg0: memref<4096x768xf32, #tpu.memory_space<vmem>>, %arg1: memref<768x256xf32, #tpu.memory_space<vmem>>, %arg2: memref<1x256xf32, #tpu.memory_space<vmem>>, %arg3: memref<256x16xf32, #tpu.memory_space<vmem>>, %arg4: memref<1x16xf32, #tpu.memory_space<vmem>>, %arg5: memref<4096x1xi32, #tpu.memory_space<vmem>>, %arg6: memref<4096x1xi32, #tpu.memory_space<vmem>>, %arg7: memref<4096x2xf32, #tpu.memory_space<vmem>>, %arg8: memref<47x1xi32, #tpu.memory_space<vmem>>, %arg9: memref<47x1xi32, #tpu.memory_space<vmem>>, %arg10: memref<8192x16xf32, #tpu.memory_space<vmem>>, %arg11: memref<8192x1xf32, #tpu.memory_space<vmem>>) attributes {dimension_semantics = [], scalar_prefetch = 0 : i64, scratch_operands = 2 : i64, tpu.core_type = #tpu.core_type<tc>} {
    %get3A = arith.constant 0 : index
    %get3A_0 = arith.constant 0 : index
    %get3A_1 = vector.load %arg0[%get3A, %get3A_0] : memref<4096x768xf32, #tpu.memory_space<vmem>>, vector<4096x768xf32>
    %get3A_2 = arith.constant 0 : index
    %get3A_3 = arith.constant 0 : index
    %get3A_4 = vector.load %arg1[%get3A_2, %get3A_3] : memref<768x256xf32, #tpu.memory_space<vmem>>, vector<768x256xf32>
    %dot_general3A = arith.constant dense<0.000000e+00> : vector<4096x256xf32>
    %dot_general3A_5 = tpu.matmul %get3A_1, %get3A_4, %dot_general3A {dimension_numbers = #tpu.dot_dimension_numbers<[1], [0], [0], [1], [0, 0, 1, 1], [], []>, transpose_lhs_hint = false} : vector<4096x768xf32>, vector<768x256xf32>, vector<4096x256xf32> -> vector<4096x256xf32>
    %get3A_6 = arith.constant 0 : index
    %get3A_7 = arith.constant 0 : index
    %get3A_8 = vector.load %arg2[%get3A_6, %get3A_7] : memref<1x256xf32, #tpu.memory_space<vmem>>, vector<1x256xf32>
    %add3A = vector.broadcast %get3A_8 : vector<1x256xf32> to vector<4096x256xf32>
    %add3A_9 = arith.addf %dot_general3A_5, %add3A : vector<4096x256xf32>
    %max3A = arith.constant 0.000000e+00 : f32
    %max3A_10 = vector.broadcast %max3A : f32 to vector<4096x256xf32>
    %max3A_11 = arith.maximumf %add3A_9, %max3A_10 : vector<4096x256xf32>
    %get3A_12 = arith.constant 0 : index
    %get3A_13 = arith.constant 0 : index
    %get3A_14 = vector.load %arg3[%get3A_12, %get3A_13] : memref<256x16xf32, #tpu.memory_space<vmem>>, vector<256x16xf32>
    %dot_general3A_15 = arith.constant dense<0.000000e+00> : vector<4096x16xf32>
    %dot_general3A_16 = tpu.matmul %max3A_11, %get3A_14, %dot_general3A_15 {dimension_numbers = #tpu.dot_dimension_numbers<[1], [0], [0], [1], [0, 0, 1, 1], [], []>, transpose_lhs_hint = false} : vector<4096x256xf32>, vector<256x16xf32>, vector<4096x16xf32> -> vector<4096x16xf32>
    %get3A_17 = arith.constant 0 : index
    %get3A_18 = arith.constant 0 : index
    %get3A_19 = vector.load %arg4[%get3A_17, %get3A_18] : memref<1x16xf32, #tpu.memory_space<vmem>>, vector<1x16xf32>
    %add3A_20 = vector.broadcast %get3A_19 : vector<1x16xf32> to vector<4096x16xf32>
    %add3A_21 = arith.addf %dot_general3A_16, %add3A_20 : vector<4096x16xf32>
    %iota3A = tpu.iota {dimensions = array<i32: 1>} : vector<4096x16xi32>
    %reduce_max3A = arith.constant dense<0xFF800000> : vector<4096xf32>
    %reduce_max3A_22 = vector.multi_reduction <maximumf>, %add3A_21, %reduce_max3A [1] : vector<4096x16xf32> to vector<4096xf32>
    %broadcast_in_dim3A = vector.shape_cast %reduce_max3A_22 : vector<4096xf32> to vector<4096x1xf32>
    %eq3A = vector.broadcast %broadcast_in_dim3A : vector<4096x1xf32> to vector<4096x16xf32>
    %eq3A_23 = arith.cmpf oeq, %add3A_21, %eq3A : vector<4096x16xf32>
    %jit3A = arith.constant 16 : i32
    %broadcast_in_dim3A_24 = vector.broadcast %jit3A : i32 to vector<4096x16xi32>
    %select_n3A = arith.select %eq3A_23, %iota3A, %broadcast_in_dim3A_24 : vector<4096x16xi1>, vector<4096x16xi32>
    %reduce_min3A = arith.constant dense<2147483647> : vector<4096xi32>
    %reduce_min3A_25 = vector.multi_reduction <minsi>, %select_n3A, %reduce_min3A [1] : vector<4096x16xi32> to vector<4096xi32>
    %broadcast_in_dim3A_26 = vector.shape_cast %reduce_min3A_25 : vector<4096xi32> to vector<4096x1xi32>
    %eq3A_27 = vector.broadcast %broadcast_in_dim3A_26 : vector<4096x1xi32> to vector<4096x16xi32>
    %eq3A_28 = arith.cmpi eq, %iota3A, %eq3A_27 : vector<4096x16xi32>
    %jit3A_29 = arith.constant 0xFF800000 : f32
    %broadcast_in_dim3A_30 = vector.broadcast %jit3A_29 : f32 to vector<4096x16xf32>
    %select_n3A_31 = arith.select %eq3A_28, %broadcast_in_dim3A_30, %add3A_21 : vector<4096x16xi1>, vector<4096x16xf32>
    %reduce_max3A_32 = arith.constant dense<0xFF800000> : vector<4096xf32>
    %reduce_max3A_33 = vector.multi_reduction <maximumf>, %select_n3A_31, %reduce_max3A_32 [1] : vector<4096x16xf32> to vector<4096xf32>
    %broadcast_in_dim3A_34 = vector.shape_cast %reduce_max3A_33 : vector<4096xf32> to vector<4096x1xf32>
    %eq3A_35 = vector.broadcast %broadcast_in_dim3A_34 : vector<4096x1xf32> to vector<4096x16xf32>
    %eq3A_36 = arith.cmpf oeq, %select_n3A_31, %eq3A_35 : vector<4096x16xf32>
    %jit3A_37 = arith.constant 16 : i32
    %broadcast_in_dim3A_38 = vector.broadcast %jit3A_37 : i32 to vector<4096x16xi32>
    %select_n3A_39 = arith.select %eq3A_36, %iota3A, %broadcast_in_dim3A_38 : vector<4096x16xi1>, vector<4096x16xi32>
    %reduce_min3A_40 = arith.constant dense<2147483647> : vector<4096xi32>
    %reduce_min3A_41 = vector.multi_reduction <minsi>, %select_n3A_39, %reduce_min3A_40 [1] : vector<4096x16xi32> to vector<4096xi32>
    %broadcast_in_dim3A_42 = vector.shape_cast %reduce_min3A_41 : vector<4096xi32> to vector<4096x1xi32>
    %sub3A = arith.subf %broadcast_in_dim3A_34, %broadcast_in_dim3A : vector<4096x1xf32>
    %exp3A = math.exp %sub3A : vector<4096x1xf32>
    %add3A_43 = arith.constant 1.000000e+00 : f32
    %add3A_44 = vector.broadcast %add3A_43 : f32 to vector<4096x1xf32>
    %add3A_45 = arith.addf %add3A_44, %exp3A : vector<4096x1xf32>
    %div3A = arith.constant 1.000000e+00 : f32
    %div3A_46 = vector.broadcast %div3A : f32 to vector<4096x1xf32>
    %div3A_47 = arith.divf %div3A_46, %add3A_45 : vector<4096x1xf32>
    %sub3A_48 = arith.constant 1.000000e+00 : f32
    %sub3A_49 = vector.broadcast %sub3A_48 : f32 to vector<4096x1xf32>
    %sub3A_50 = arith.subf %sub3A_49, %div3A_47 : vector<4096x1xf32>
    %concatenate3A = tpu.concatenate %div3A_47, %sub3A_50 in 1 : vector<4096x1xf32>, vector<4096x1xf32> -> vector<4096x2xf32>
    %swap3A = arith.constant 0 : index
    %swap3A_51 = arith.constant 0 : index
    %swap3A_52 = vector.load %arg7[%swap3A, %swap3A_51] : memref<4096x2xf32, #tpu.memory_space<vmem>>, vector<4096x2xf32>
    tpu.vector_store %arg7[%swap3A, %swap3A_51], %concatenate3A {strides = array<i32>} : memref<4096x2xf32, #tpu.memory_space<vmem>>, vector<4096x2xf32>,
    %eq3A_53 = vector.broadcast %broadcast_in_dim3A_26 : vector<4096x1xi32> to vector<4096x16xi32>
    %eq3A_54 = arith.cmpi eq, %iota3A, %eq3A_53 : vector<4096x16xi32>
    %convert_element_type3A = arith.extui %eq3A_54 : vector<4096x16xi1> to vector<4096x16xi32>
    %convert_element_type3A_55 = arith.sitofp %convert_element_type3A : vector<4096x16xi32> to vector<4096x16xf32>
    %swap3A_56 = arith.constant 0 : index
    %swap3A_57 = arith.constant 0 : index
    %swap3A_58 = vector.load %arg10[%swap3A_56, %swap3A_57] : memref<8192x16xf32, #tpu.memory_space<vmem>>, vector<4096x16xf32>
    tpu.vector_store %arg10[%swap3A_56, %swap3A_57], %convert_element_type3A_55 {strides = array<i32>} : memref<8192x16xf32, #tpu.memory_space<vmem>>, vector<4096x16xf32>,
    %eq3A_59 = vector.broadcast %broadcast_in_dim3A_42 : vector<4096x1xi32> to vector<4096x16xi32>
    %eq3A_60 = arith.cmpi eq, %iota3A, %eq3A_59 : vector<4096x16xi32>
    %convert_element_type3A_61 = arith.extui %eq3A_60 : vector<4096x16xi1> to vector<4096x16xi32>
    %convert_element_type3A_62 = arith.sitofp %convert_element_type3A_61 : vector<4096x16xi32> to vector<4096x16xf32>
    %swap3A_63 = arith.constant 4096 : index
    %swap3A_64 = arith.constant 0 : index
    %swap3A_65 = vector.load %arg10[%swap3A_63, %swap3A_64] : memref<8192x16xf32, #tpu.memory_space<vmem>>, vector<4096x16xf32>
    tpu.vector_store %arg10[%swap3A_63, %swap3A_64], %convert_element_type3A_62 {strides = array<i32>} : memref<8192x16xf32, #tpu.memory_space<vmem>>, vector<4096x16xf32>,
    %iota3A_66 = tpu.iota {dimensions = array<i32: 0>} : vector<512x512xi32>
    %iota3A_67 = tpu.iota {dimensions = array<i32: 1>} : vector<512x512xi32>
    %lt3A = arith.cmpi slt, %iota3A_67, %iota3A_66 : vector<512x512xi32>
    %convert_element_type3A_68 = arith.extui %lt3A : vector<512x512xi1> to vector<512x512xi32>
    %convert_element_type3A_69 = arith.sitofp %convert_element_type3A_68 : vector<512x512xi32> to vector<512x512xf32>
    %broadcast_in_dim3A_70 = arith.constant 0.000000e+00 : f32
    %broadcast_in_dim3A_71 = vector.broadcast %broadcast_in_dim3A_70 : f32 to vector<1x16xf32>
    %scan3A = arith.constant 0 : i32
    %scan3A_72 = arith.constant 16 : i32
    %scan3A_73 = arith.addi %scan3A, %scan3A_72 : i32
    %scan3A_74 = arith.constant 1 : i32
    %scan3A_75 = scf.for %scan3A_128 = %scan3A to %scan3A_73 step %scan3A_74 iter_args(%scan3A_129 = %broadcast_in_dim3A_71) -> (vector<1x16xf32>)  : i32 {
      %mul3A_130 = arith.constant 512 : i32
      %mul3A_131 = arith.muli %scan3A_128, %mul3A_130 : i32
      %get3A_132 = arith.index_cast %mul3A_131 : i32 to index
      %get3A_133 = arith.constant 0 : index
      %get3A_134 = vector.load %arg10[%get3A_132, %get3A_133] : memref<8192x16xf32, #tpu.memory_space<vmem>>, vector<512x16xf32>
      %dot_general3A_135 = arith.constant dense<0.000000e+00> : vector<512x16xf32>
      %dot_general3A_136 = tpu.matmul %convert_element_type3A_69, %get3A_134, %dot_general3A_135 {dimension_numbers = #tpu.dot_dimension_numbers<[1], [0], [0], [1], [0, 0, 1, 1], [], []>, transpose_lhs_hint = false} : vector<512x512xf32>, vector<512x16xf32>, vector<512x16xf32> -> vector<512x16xf32>
      %add3A_137 = vector.broadcast %scan3A_129 : vector<1x16xf32> to vector<512x16xf32>
      %add3A_138 = arith.addf %dot_general3A_136, %add3A_137 : vector<512x16xf32>
      %mul3A_139 = arith.mulf %get3A_134, %add3A_138 : vector<512x16xf32>
      %reduce_sum3A_140 = arith.constant dense<0.000000e+00> : vector<512xf32>
      %reduce_sum3A_141 = vector.multi_reduction <add>, %mul3A_139, %reduce_sum3A_140 [1] : vector<512x16xf32> to vector<512xf32>
      %broadcast_in_dim3A_142 = vector.shape_cast %reduce_sum3A_141 : vector<512xf32> to vector<512x1xf32>
      %mul3A_143 = arith.constant 512 : i32
      %mul3A_144 = arith.muli %scan3A_128, %mul3A_143 : i32
      %swap3A_145 = arith.index_cast %mul3A_144 : i32 to index
      %swap3A_146 = arith.constant 0 : index
      %swap3A_147 = vector.load %arg11[%swap3A_145, %swap3A_146] : memref<8192x1xf32, #tpu.memory_space<vmem>>, vector<512x1xf32>
      tpu.vector_store %arg11[%swap3A_145, %swap3A_146], %broadcast_in_dim3A_142 {strides = array<i32>} : memref<8192x1xf32, #tpu.memory_space<vmem>>, vector<512x1xf32>,
      %reduce_sum3A_148 = arith.constant dense<0.000000e+00> : vector<16xf32>
      %reduce_sum3A_149 = vector.multi_reduction <add>, %get3A_134, %reduce_sum3A_148 [0] : vector<512x16xf32> to vector<16xf32>
      %broadcast_in_dim3A_150 = vector.shape_cast %reduce_sum3A_149 : vector<16xf32> to vector<1x16xf32>
      %add3A_151 = arith.addf %scan3A_129, %broadcast_in_dim3A_150 : vector<1x16xf32>
      scf.yield %add3A_151 : vector<1x16xf32>
    }
    %scan3A_76 = arith.constant 16 : i32
    %convert_element_type3A_77 = arith.fptosi %scan3A_75 : vector<1x16xf32> to vector<1x16xi32>
    %add3A_78 = arith.constant 255 : i32
    %add3A_79 = vector.broadcast %add3A_78 : i32 to vector<1x16xi32>
    %add3A_80 = arith.addi %convert_element_type3A_77, %add3A_79 : vector<1x16xi32>
    %shift_right_arithmetic3A = arith.constant 8 : i32
    %shift_right_arithmetic3A_81 = vector.broadcast %shift_right_arithmetic3A : i32 to vector<1x16xi32>
    %shift_right_arithmetic3A_82 = arith.shrsi %add3A_80, %shift_right_arithmetic3A_81 : vector<1x16xi32>
    %convert_element_type3A_83 = arith.sitofp %shift_right_arithmetic3A_82 : vector<1x16xi32> to vector<1x16xf32>
    %iota3A_84 = tpu.iota {dimensions = array<i32: 0>} : vector<16x16xi32>
    %iota3A_85 = tpu.iota {dimensions = array<i32: 1>} : vector<16x16xi32>
    %le3A = arith.cmpi sle, %iota3A_84, %iota3A_85 : vector<16x16xi32>
    %convert_element_type3A_86 = arith.extui %le3A : vector<16x16xi1> to vector<16x16xi32>
    %convert_element_type3A_87 = arith.sitofp %convert_element_type3A_86 : vector<16x16xi32> to vector<16x16xf32>
    %dot_general3A_88 = arith.constant dense<0.000000e+00> : vector<1x16xf32>
    %dot_general3A_89 = tpu.matmul %convert_element_type3A_83, %convert_element_type3A_87, %dot_general3A_88 {dimension_numbers = #tpu.dot_dimension_numbers<[1], [0], [0], [1], [0, 0, 1, 1], [], []>, transpose_lhs_hint = false} : vector<1x16xf32>, vector<16x16xf32>, vector<1x16xf32> -> vector<1x16xf32>
    %sub3A_90 = arith.subf %dot_general3A_89, %convert_element_type3A_83 : vector<1x16xf32>
    %mul3A = arith.constant 2.560000e+02 : f32
    %mul3A_91 = vector.broadcast %mul3A : f32 to vector<1x16xf32>
    %mul3A_92 = arith.mulf %sub3A_90, %mul3A_91 : vector<1x16xf32>
    %iota3A_93 = tpu.iota {dimensions = array<i32: 0>} : vector<47x16xi32>
    %convert_element_type3A_94 = arith.sitofp %iota3A_93 : vector<47x16xi32> to vector<47x16xf32>
    %le3A_95 = vector.broadcast %dot_general3A_89 : vector<1x16xf32> to vector<47x16xf32>
    %le3A_96 = arith.cmpf ole, %le3A_95, %convert_element_type3A_94 : vector<47x16xf32>
    %convert_element_type3A_97 = arith.extui %le3A_96 : vector<47x16xi1> to vector<47x16xi32>
    %reduce_sum3A = arith.constant dense<0> : vector<47xi32>
    %reduce_sum3A_98 = vector.multi_reduction <add>, %convert_element_type3A_97, %reduce_sum3A [1] : vector<47x16xi32> to vector<47xi32>
    %broadcast_in_dim3A_99 = vector.shape_cast %reduce_sum3A_98 : vector<47xi32> to vector<47x1xi32>
    %min3A = arith.constant 15 : i32
    %min3A_100 = vector.broadcast %min3A : i32 to vector<47x1xi32>
    %min3A_101 = arith.minsi %broadcast_in_dim3A_99, %min3A_100 : vector<47x1xi32>
    %swap3A_102 = arith.constant 0 : index
    %swap3A_103 = arith.constant 0 : index
    %swap3A_104 = vector.load %arg8[%swap3A_102, %swap3A_103] : memref<47x1xi32, #tpu.memory_space<vmem>>, vector<47x1xi32>
    tpu.vector_store %arg8[%swap3A_102, %swap3A_103], %min3A_101 {strides = array<i32>} : memref<47x1xi32, #tpu.memory_space<vmem>>, vector<47x1xi32>,
    %swap3A_105 = arith.constant 0 : index
    %swap3A_106 = arith.constant 0 : index
    %swap3A_107 = vector.load %arg9[%swap3A_105, %swap3A_106] : memref<47x1xi32, #tpu.memory_space<vmem>>, vector<47x1xi32>
    tpu.vector_store %arg9[%swap3A_105, %swap3A_106], %broadcast_in_dim3A_99 {strides = array<i32>} : memref<47x1xi32, #tpu.memory_space<vmem>>, vector<47x1xi32>,
    %get3A_108 = arith.constant 0 : index
    %get3A_109 = arith.constant 0 : index
    %get3A_110 = vector.load %arg11[%get3A_108, %get3A_109] : memref<8192x1xf32, #tpu.memory_space<vmem>>, vector<8192x1xf32>
    %get3A_111 = arith.constant 0 : index
    %get3A_112 = arith.constant 0 : index
    %get3A_113 = vector.load %arg10[%get3A_111, %get3A_112] : memref<8192x16xf32, #tpu.memory_space<vmem>>, vector<8192x16xf32>
    %mul3A_114 = vector.broadcast %mul3A_92 : vector<1x16xf32> to vector<8192x16xf32>
    %mul3A_115 = arith.mulf %get3A_113, %mul3A_114 : vector<8192x16xf32>
    %reduce_sum3A_116 = arith.constant dense<0.000000e+00> : vector<8192xf32>
    %reduce_sum3A_117 = vector.multi_reduction <add>, %mul3A_115, %reduce_sum3A_116 [1] : vector<8192x16xf32> to vector<8192xf32>
    %broadcast_in_dim3A_118 = vector.shape_cast %reduce_sum3A_117 : vector<8192xf32> to vector<8192x1xf32>
    %add3A_119 = arith.addf %get3A_110, %broadcast_in_dim3A_118 : vector<8192x1xf32>
    %convert_element_type3A_120 = arith.fptosi %add3A_119 : vector<8192x1xf32> to vector<8192x1xi32>
    %slice3A = vector.extract_strided_slice %convert_element_type3A_120 {offsets = [0, 0], sizes = [4096, 1], strides = [1, 1]} : vector<8192x1xi32> to vector<4096x1xi32>
    %swap3A_121 = arith.constant 0 : index
    %swap3A_122 = arith.constant 0 : index
    %swap3A_123 = vector.load %arg5[%swap3A_121, %swap3A_122] : memref<4096x1xi32, #tpu.memory_space<vmem>>, vector<4096x1xi32>
    tpu.vector_store %arg5[%swap3A_121, %swap3A_122], %slice3A {strides = array<i32>} : memref<4096x1xi32, #tpu.memory_space<vmem>>, vector<4096x1xi32>,
    %slice3A_124 = vector.extract_strided_slice %convert_element_type3A_120 {offsets = [4096, 0], sizes = [4096, 1], strides = [1, 1]} : vector<8192x1xi32> to vector<4096x1xi32>
    %swap3A_125 = arith.constant 0 : index
    %swap3A_126 = arith.constant 0 : index
    %swap3A_127 = vector.load %arg6[%swap3A_125, %swap3A_126] : memref<4096x1xi32, #tpu.memory_space<vmem>>, vector<4096x1xi32>
    tpu.vector_store %arg6[%swap3A_125, %swap3A_126], %slice3A_124 {strides = array<i32>} : memref<4096x1xi32, #tpu.memory_space<vmem>>, vector<4096x1xi32>,
    return
  }
}

module attributes {stable_mosaic.version = 14 : i64} {
  func.func @_combine_body(%arg0: i32, %arg1: memref<512x768xf32, #tpu.memory_space<vmem>>, %arg2: memref<512x768xf32, #tpu.memory_space<vmem>>, %arg3: memref<512x2xf32, #tpu.memory_space<vmem>>, %arg4: memref<512x768xf32, #tpu.memory_space<vmem>>) attributes {dimension_semantics = [#tpu.dimension_semantics<arbitrary>], iteration_bounds = array<i64: 8>, scalar_prefetch = 0 : i64, scratch_operands = 0 : i64, tpu.core_type = #tpu.core_type<tc>, window_params = [{transform_indices = @transform_0, window_bounds = array<i64: 512, 768>}, {transform_indices = @transform_1, window_bounds = array<i64: 512, 768>}, {transform_indices = @transform_2, window_bounds = array<i64: 512, 2>}, {transform_indices = @transform_3, window_bounds = array<i64: 512, 768>}]} {
    %get3A = arith.constant 0 : index
    %get3A_0 = arith.constant 0 : index
    %get3A_1 = vector.load %arg3[%get3A, %get3A_0] : memref<512x2xf32, #tpu.memory_space<vmem>>, vector<512x2xf32>
    %slice3A = vector.extract_strided_slice %get3A_1 {offsets = [0, 0], sizes = [512, 1], strides = [1, 1]} : vector<512x2xf32> to vector<512x1xf32>
    %get3A_2 = arith.constant 0 : index
    %get3A_3 = arith.constant 0 : index
    %get3A_4 = vector.load %arg1[%get3A_2, %get3A_3] : memref<512x768xf32, #tpu.memory_space<vmem>>, vector<512x768xf32>
    %mul3A = vector.broadcast %slice3A : vector<512x1xf32> to vector<512x768xf32>
    %mul3A_5 = arith.mulf %mul3A, %get3A_4 : vector<512x768xf32>
    %slice3A_6 = vector.extract_strided_slice %get3A_1 {offsets = [0, 1], sizes = [512, 1], strides = [1, 1]} : vector<512x2xf32> to vector<512x1xf32>
    %get3A_7 = arith.constant 0 : index
    %get3A_8 = arith.constant 0 : index
    %get3A_9 = vector.load %arg2[%get3A_7, %get3A_8] : memref<512x768xf32, #tpu.memory_space<vmem>>, vector<512x768xf32>
    %mul3A_10 = vector.broadcast %slice3A_6 : vector<512x1xf32> to vector<512x768xf32>
    %mul3A_11 = arith.mulf %mul3A_10, %get3A_9 : vector<512x768xf32>
    %add3A = arith.addf %mul3A_5, %mul3A_11 : vector<512x768xf32>
    %swap3A = arith.constant 0 : index
    %swap3A_12 = arith.constant 0 : index
    %swap3A_13 = vector.load %arg4[%swap3A, %swap3A_12] : memref<512x768xf32, #tpu.memory_space<vmem>>, vector<512x768xf32>
    tpu.vector_store %arg4[%swap3A, %swap3A_12], %add3A {strides = array<i32>} : memref<512x768xf32, #tpu.memory_space<vmem>>, vector<512x768xf32>,
    return
  }
  func.func @transform_0(%arg0: i32) -> (i32, i32) {
    %c0_i32 = arith.constant 0 : i32
    %c0_i32_0 = arith.constant 0 : i32
    return %arg0, %c0_i32 : i32, i32
  }
  func.func @transform_1(%arg0: i32) -> (i32, i32) {
    %c0_i32 = arith.constant 0 : i32
    %c0_i32_0 = arith.constant 0 : i32
    return %arg0, %c0_i32 : i32, i32
  }
  func.func @transform_2(%arg0: i32) -> (i32, i32) {
    %c0_i32 = arith.constant 0 : i32
    %c0_i32_0 = arith.constant 0 : i32
    return %arg0, %c0_i32 : i32, i32
  }
  func.func @transform_3(%arg0: i32) -> (i32, i32) {
    %c0_i32 = arith.constant 0 : i32
    %c0_i32_0 = arith.constant 0 : i32
    return %arg0, %c0_i32 : i32, i32
  }
}

module attributes {stable_mosaic.version = 14 : i64} {
  func.func @_mlp_body(%arg0: i32, %arg1: memref<47xi32, #tpu.memory_space<smem>>, %arg2: memref<47xi32, #tpu.memory_space<smem>>, %arg3: memref<256x768xf32, #tpu.memory_space<vmem>>, %arg4: memref<1x768x256xf32, #tpu.memory_space<vmem>>, %arg5: memref<1x1x256xf32, #tpu.memory_space<vmem>>, %arg6: memref<1x1x256xf32, #tpu.memory_space<vmem>>, %arg7: memref<1x1x256xf32, #tpu.memory_space<vmem>>, %arg8: memref<1x256x256xf32, #tpu.memory_space<vmem>>, %arg9: memref<1x1x256xf32, #tpu.memory_space<vmem>>, %arg10: memref<1x1x256xf32, #tpu.memory_space<vmem>>, %arg11: memref<1x1x256xf32, #tpu.memory_space<vmem>>, %arg12: memref<1x256x768xf32, #tpu.memory_space<vmem>>, %arg13: memref<1x1x768xf32, #tpu.memory_space<vmem>>, %arg14: memref<256x768xf32, #tpu.memory_space<vmem>>) attributes {dimension_semantics = [#tpu.dimension_semantics<arbitrary>], iteration_bounds = array<i64: 47>, scalar_prefetch = 2 : i64, scratch_operands = 0 : i64, tpu.core_type = #tpu.core_type<tc>, window_params = [{transform_indices = @transform_0, window_bounds = array<i64: 256, 768>}, {transform_indices = @transform_1, window_bounds = array<i64: 1, 768, 256>}, {transform_indices = @transform_2, window_bounds = array<i64: 1, 1, 256>}, {transform_indices = @transform_3, window_bounds = array<i64: 1, 1, 256>}, {transform_indices = @transform_4, window_bounds = array<i64: 1, 1, 256>}, {transform_indices = @transform_5, window_bounds = array<i64: 1, 256, 256>}, {transform_indices = @transform_6, window_bounds = array<i64: 1, 1, 256>}, {transform_indices = @transform_7, window_bounds = array<i64: 1, 1, 256>}, {transform_indices = @transform_8, window_bounds = array<i64: 1, 1, 256>}, {transform_indices = @transform_9, window_bounds = array<i64: 1, 256, 768>}, {transform_indices = @transform_10, window_bounds = array<i64: 1, 1, 768>}, {transform_indices = @transform_11, window_bounds = array<i64: 256, 768>}]} {
    %get3A = arith.index_cast %arg0 : i32 to index
    %get3A_0 = memref.load %arg2[%get3A] : memref<47xi32, #tpu.memory_space<smem>>
    %lt3A = arith.constant 16 : i32
    %lt3A_1 = arith.cmpi slt, %get3A_0, %lt3A : i32
    %convert_element_type3A = arith.extui %lt3A_1 : i1 to i32
    %cond3A = arith.constant 0 : i32
    %cond3A_2 = arith.cmpi ne, %convert_element_type3A, %cond3A : i32
    scf.if %cond3A_2 {
      %get3A_3 = arith.constant 0 : index
      %get3A_4 = arith.constant 0 : index
      %get3A_5 = vector.load %arg3[%get3A_3, %get3A_4] : memref<256x768xf32, #tpu.memory_space<vmem>>, vector<256x768xf32>
      %get3A_6 = arith.constant 0 : index
      %get3A_7 = arith.constant 0 : index
      %get3A_8 = arith.constant 0 : index
      %get3A_9 = vector.load %arg4[%get3A_6, %get3A_7, %get3A_8] : memref<1x768x256xf32, #tpu.memory_space<vmem>>, vector<1x768x256xf32>
      %get3A_10 = vector.shape_cast %get3A_9 : vector<1x768x256xf32> to vector<768x256xf32>
      %dot_general3A = arith.constant dense<0.000000e+00> : vector<256x256xf32>
      %dot_general3A_11 = tpu.matmul %get3A_5, %get3A_10, %dot_general3A {dimension_numbers = #tpu.dot_dimension_numbers<[1], [0], [0], [1], [0, 0, 1, 1], [], []>, transpose_lhs_hint = false} : vector<256x768xf32>, vector<768x256xf32>, vector<256x256xf32> -> vector<256x256xf32>
      %get3A_12 = arith.constant 0 : index
      %get3A_13 = arith.constant 0 : index
      %get3A_14 = arith.constant 0 : index
      %get3A_15 = vector.load %arg5[%get3A_12, %get3A_13, %get3A_14] : memref<1x1x256xf32, #tpu.memory_space<vmem>>, vector<1x1x256xf32>
      %get3A_16 = vector.shape_cast %get3A_15 : vector<1x1x256xf32> to vector<1x256xf32>
      %add3A = vector.broadcast %get3A_16 : vector<1x256xf32> to vector<256x256xf32>
      %add3A_17 = arith.addf %dot_general3A_11, %add3A : vector<256x256xf32>
      %get3A_18 = arith.constant 0 : index
      %get3A_19 = arith.constant 0 : index
      %get3A_20 = arith.constant 0 : index
      %get3A_21 = vector.load %arg6[%get3A_18, %get3A_19, %get3A_20] : memref<1x1x256xf32, #tpu.memory_space<vmem>>, vector<1x1x256xf32>
      %get3A_22 = vector.shape_cast %get3A_21 : vector<1x1x256xf32> to vector<1x256xf32>
      %get3A_23 = arith.constant 0 : index
      %get3A_24 = arith.constant 0 : index
      %get3A_25 = arith.constant 0 : index
      %get3A_26 = vector.load %arg7[%get3A_23, %get3A_24, %get3A_25] : memref<1x1x256xf32, #tpu.memory_space<vmem>>, vector<1x1x256xf32>
      %get3A_27 = vector.shape_cast %get3A_26 : vector<1x1x256xf32> to vector<1x256xf32>
      %reduce_sum3A = arith.constant dense<0.000000e+00> : vector<256xf32>
      %reduce_sum3A_28 = vector.multi_reduction <add>, %add3A_17, %reduce_sum3A [1] : vector<256x256xf32> to vector<256xf32>
      %broadcast_in_dim3A = vector.shape_cast %reduce_sum3A_28 : vector<256xf32> to vector<256x1xf32>
      %div3A = arith.constant 2.560000e+02 : f32
      %div3A_29 = vector.broadcast %div3A : f32 to vector<256x1xf32>
      %div3A_30 = arith.divf %broadcast_in_dim3A, %div3A_29 : vector<256x1xf32>
      %sub3A = vector.broadcast %div3A_30 : vector<256x1xf32> to vector<256x256xf32>
      %sub3A_31 = arith.subf %add3A_17, %sub3A : vector<256x256xf32>
      %integer_pow3A = arith.mulf %sub3A_31, %sub3A_31 : vector<256x256xf32>
      %reduce_sum3A_32 = arith.constant dense<0.000000e+00> : vector<256xf32>
      %reduce_sum3A_33 = vector.multi_reduction <add>, %integer_pow3A, %reduce_sum3A_32 [1] : vector<256x256xf32> to vector<256xf32>
      %broadcast_in_dim3A_34 = vector.shape_cast %reduce_sum3A_33 : vector<256xf32> to vector<256x1xf32>
      %div3A_35 = arith.constant 2.560000e+02 : f32
      %div3A_36 = vector.broadcast %div3A_35 : f32 to vector<256x1xf32>
      %div3A_37 = arith.divf %broadcast_in_dim3A_34, %div3A_36 : vector<256x1xf32>
      %sub3A_38 = vector.broadcast %div3A_30 : vector<256x1xf32> to vector<256x256xf32>
      %sub3A_39 = arith.subf %add3A_17, %sub3A_38 : vector<256x256xf32>
      %add3A_40 = arith.constant 9.99999974E-6 : f32
      %add3A_41 = vector.broadcast %add3A_40 : f32 to vector<256x1xf32>
      %add3A_42 = arith.addf %div3A_37, %add3A_41 : vector<256x1xf32>
      %sqrt3A = math.sqrt %add3A_42 : vector<256x1xf32>
      %div3A_43 = vector.broadcast %sqrt3A : vector<256x1xf32> to vector<256x256xf32>
      %div3A_44 = arith.divf %sub3A_39, %div3A_43 : vector<256x256xf32>
      %mul3A = vector.broadcast %get3A_22 : vector<1x256xf32> to vector<256x256xf32>
      %mul3A_45 = arith.mulf %div3A_44, %mul3A : vector<256x256xf32>
      %add3A_46 = vector.broadcast %get3A_27 : vector<1x256xf32> to vector<256x256xf32>
      %add3A_47 = arith.addf %mul3A_45, %add3A_46 : vector<256x256xf32>
      %max3A = arith.constant 0.000000e+00 : f32
      %max3A_48 = vector.broadcast %max3A : f32 to vector<256x256xf32>
      %max3A_49 = arith.maximumf %add3A_47, %max3A_48 : vector<256x256xf32>
      %get3A_50 = arith.constant 0 : index
      %get3A_51 = arith.constant 0 : index
      %get3A_52 = arith.constant 0 : index
      %get3A_53 = vector.load %arg8[%get3A_50, %get3A_51, %get3A_52] : memref<1x256x256xf32, #tpu.memory_space<vmem>>, vector<1x256x256xf32>
      %get3A_54 = vector.shape_cast %get3A_53 : vector<1x256x256xf32> to vector<256x256xf32>
      %dot_general3A_55 = arith.constant dense<0.000000e+00> : vector<256x256xf32>
      %dot_general3A_56 = tpu.matmul %max3A_49, %get3A_54, %dot_general3A_55 {dimension_numbers = #tpu.dot_dimension_numbers<[1], [0], [0], [1], [0, 0, 1, 1], [], []>, transpose_lhs_hint = false} : vector<256x256xf32>, vector<256x256xf32>, vector<256x256xf32> -> vector<256x256xf32>
      %get3A_57 = arith.constant 0 : index
      %get3A_58 = arith.constant 0 : index
      %get3A_59 = arith.constant 0 : index
      %get3A_60 = vector.load %arg9[%get3A_57, %get3A_58, %get3A_59] : memref<1x1x256xf32, #tpu.memory_space<vmem>>, vector<1x1x256xf32>
      %get3A_61 = vector.shape_cast %get3A_60 : vector<1x1x256xf32> to vector<1x256xf32>
      %add3A_62 = vector.broadcast %get3A_61 : vector<1x256xf32> to vector<256x256xf32>
      %add3A_63 = arith.addf %dot_general3A_56, %add3A_62 : vector<256x256xf32>
      %get3A_64 = arith.constant 0 : index
      %get3A_65 = arith.constant 0 : index
      %get3A_66 = arith.constant 0 : index
      %get3A_67 = vector.load %arg10[%get3A_64, %get3A_65, %get3A_66] : memref<1x1x256xf32, #tpu.memory_space<vmem>>, vector<1x1x256xf32>
      %get3A_68 = vector.shape_cast %get3A_67 : vector<1x1x256xf32> to vector<1x256xf32>
      %get3A_69 = arith.constant 0 : index
      %get3A_70 = arith.constant 0 : index
      %get3A_71 = arith.constant 0 : index
      %get3A_72 = vector.load %arg11[%get3A_69, %get3A_70, %get3A_71] : memref<1x1x256xf32, #tpu.memory_space<vmem>>, vector<1x1x256xf32>
      %get3A_73 = vector.shape_cast %get3A_72 : vector<1x1x256xf32> to vector<1x256xf32>
      %reduce_sum3A_74 = arith.constant dense<0.000000e+00> : vector<256xf32>
      %reduce_sum3A_75 = vector.multi_reduction <add>, %add3A_63, %reduce_sum3A_74 [1] : vector<256x256xf32> to vector<256xf32>
      %broadcast_in_dim3A_76 = vector.shape_cast %reduce_sum3A_75 : vector<256xf32> to vector<256x1xf32>
      %div3A_77 = arith.constant 2.560000e+02 : f32
      %div3A_78 = vector.broadcast %div3A_77 : f32 to vector<256x1xf32>
      %div3A_79 = arith.divf %broadcast_in_dim3A_76, %div3A_78 : vector<256x1xf32>
      %sub3A_80 = vector.broadcast %div3A_79 : vector<256x1xf32> to vector<256x256xf32>
      %sub3A_81 = arith.subf %add3A_63, %sub3A_80 : vector<256x256xf32>
      %integer_pow3A_82 = arith.mulf %sub3A_81, %sub3A_81 : vector<256x256xf32>
      %reduce_sum3A_83 = arith.constant dense<0.000000e+00> : vector<256xf32>
      %reduce_sum3A_84 = vector.multi_reduction <add>, %integer_pow3A_82, %reduce_sum3A_83 [1] : vector<256x256xf32> to vector<256xf32>
      %broadcast_in_dim3A_85 = vector.shape_cast %reduce_sum3A_84 : vector<256xf32> to vector<256x1xf32>
      %div3A_86 = arith.constant 2.560000e+02 : f32
      %div3A_87 = vector.broadcast %div3A_86 : f32 to vector<256x1xf32>
      %div3A_88 = arith.divf %broadcast_in_dim3A_85, %div3A_87 : vector<256x1xf32>
      %sub3A_89 = vector.broadcast %div3A_79 : vector<256x1xf32> to vector<256x256xf32>
      %sub3A_90 = arith.subf %add3A_63, %sub3A_89 : vector<256x256xf32>
      %add3A_91 = arith.constant 9.99999974E-6 : f32
      %add3A_92 = vector.broadcast %add3A_91 : f32 to vector<256x1xf32>
      %add3A_93 = arith.addf %div3A_88, %add3A_92 : vector<256x1xf32>
      %sqrt3A_94 = math.sqrt %add3A_93 : vector<256x1xf32>
      %div3A_95 = vector.broadcast %sqrt3A_94 : vector<256x1xf32> to vector<256x256xf32>
      %div3A_96 = arith.divf %sub3A_90, %div3A_95 : vector<256x256xf32>
      %mul3A_97 = vector.broadcast %get3A_68 : vector<1x256xf32> to vector<256x256xf32>
      %mul3A_98 = arith.mulf %div3A_96, %mul3A_97 : vector<256x256xf32>
      %add3A_99 = vector.broadcast %get3A_73 : vector<1x256xf32> to vector<256x256xf32>
      %add3A_100 = arith.addf %mul3A_98, %add3A_99 : vector<256x256xf32>
      %max3A_101 = arith.constant 0.000000e+00 : f32
      %max3A_102 = vector.broadcast %max3A_101 : f32 to vector<256x256xf32>
      %max3A_103 = arith.maximumf %add3A_100, %max3A_102 : vector<256x256xf32>
      %get3A_104 = arith.constant 0 : index
      %get3A_105 = arith.constant 0 : index
      %get3A_106 = arith.constant 0 : index
      %get3A_107 = vector.load %arg12[%get3A_104, %get3A_105, %get3A_106] : memref<1x256x768xf32, #tpu.memory_space<vmem>>, vector<1x256x768xf32>
      %get3A_108 = vector.shape_cast %get3A_107 : vector<1x256x768xf32> to vector<256x768xf32>
      %dot_general3A_109 = arith.constant dense<0.000000e+00> : vector<256x768xf32>
      %dot_general3A_110 = tpu.matmul %max3A_103, %get3A_108, %dot_general3A_109 {dimension_numbers = #tpu.dot_dimension_numbers<[1], [0], [0], [1], [0, 0, 1, 1], [], []>, transpose_lhs_hint = false} : vector<256x256xf32>, vector<256x768xf32>, vector<256x768xf32> -> vector<256x768xf32>
      %get3A_111 = arith.constant 0 : index
      %get3A_112 = arith.constant 0 : index
      %get3A_113 = arith.constant 0 : index
      %get3A_114 = vector.load %arg13[%get3A_111, %get3A_112, %get3A_113] : memref<1x1x768xf32, #tpu.memory_space<vmem>>, vector<1x1x768xf32>
      %get3A_115 = vector.shape_cast %get3A_114 : vector<1x1x768xf32> to vector<1x768xf32>
      %add3A_116 = vector.broadcast %get3A_115 : vector<1x768xf32> to vector<256x768xf32>
      %add3A_117 = arith.addf %dot_general3A_110, %add3A_116 : vector<256x768xf32>
      %swap3A = arith.constant 0 : index
      %swap3A_118 = arith.constant 0 : index
      %swap3A_119 = vector.load %arg14[%swap3A, %swap3A_118] : memref<256x768xf32, #tpu.memory_space<vmem>>, vector<256x768xf32>
      tpu.vector_store %arg14[%swap3A, %swap3A_118], %add3A_117 {strides = array<i32>} : memref<256x768xf32, #tpu.memory_space<vmem>>, vector<256x768xf32>,
    } else {
    }
    return
  }
  func.func @transform_0(%arg0: i32, %arg1: memref<47xi32, #tpu.memory_space<smem>>, %arg2: memref<47xi32, #tpu.memory_space<smem>>) -> (i32, i32) {
    %c0_i32 = arith.constant 0 : i32
    %c0_i32_0 = arith.constant 0 : i32
    return %arg0, %c0_i32 : i32, i32
  }
  func.func @transform_1(%arg0: i32, %arg1: memref<47xi32, #tpu.memory_space<smem>>, %arg2: memref<47xi32, #tpu.memory_space<smem>>) -> (i32, i32, i32) {
    %get3A = arith.index_cast %arg0 : i32 to index
    %get3A_0 = memref.load %arg1[%get3A] : memref<47xi32, #tpu.memory_space<smem>>
    %c0_i32 = arith.constant 0 : i32
    %c0_i32_1 = arith.constant 0 : i32
    %c0_i32_2 = arith.constant 0 : i32
    return %get3A_0, %c0_i32, %c0_i32_1 : i32, i32, i32
  }
  func.func @transform_2(%arg0: i32, %arg1: memref<47xi32, #tpu.memory_space<smem>>, %arg2: memref<47xi32, #tpu.memory_space<smem>>) -> (i32, i32, i32) {
    %get3A = arith.index_cast %arg0 : i32 to index
    %get3A_0 = memref.load %arg1[%get3A] : memref<47xi32, #tpu.memory_space<smem>>
    %c0_i32 = arith.constant 0 : i32
    %c0_i32_1 = arith.constant 0 : i32
    %c0_i32_2 = arith.constant 0 : i32
    return %get3A_0, %c0_i32, %c0_i32_1 : i32, i32, i32
  }
  func.func @transform_3(%arg0: i32, %arg1: memref<47xi32, #tpu.memory_space<smem>>, %arg2: memref<47xi32, #tpu.memory_space<smem>>) -> (i32, i32, i32) {
    %get3A = arith.index_cast %arg0 : i32 to index
    %get3A_0 = memref.load %arg1[%get3A] : memref<47xi32, #tpu.memory_space<smem>>
    %c0_i32 = arith.constant 0 : i32
    %c0_i32_1 = arith.constant 0 : i32
    %c0_i32_2 = arith.constant 0 : i32
    return %get3A_0, %c0_i32, %c0_i32_1 : i32, i32, i32
  }
  func.func @transform_4(%arg0: i32, %arg1: memref<47xi32, #tpu.memory_space<smem>>, %arg2: memref<47xi32, #tpu.memory_space<smem>>) -> (i32, i32, i32) {
    %get3A = arith.index_cast %arg0 : i32 to index
    %get3A_0 = memref.load %arg1[%get3A] : memref<47xi32, #tpu.memory_space<smem>>
    %c0_i32 = arith.constant 0 : i32
    %c0_i32_1 = arith.constant 0 : i32
    %c0_i32_2 = arith.constant 0 : i32
    return %get3A_0, %c0_i32, %c0_i32_1 : i32, i32, i32
  }
  func.func @transform_5(%arg0: i32, %arg1: memref<47xi32, #tpu.memory_space<smem>>, %arg2: memref<47xi32, #tpu.memory_space<smem>>) -> (i32, i32, i32) {
    %get3A = arith.index_cast %arg0 : i32 to index
    %get3A_0 = memref.load %arg1[%get3A] : memref<47xi32, #tpu.memory_space<smem>>
    %c0_i32 = arith.constant 0 : i32
    %c0_i32_1 = arith.constant 0 : i32
    %c0_i32_2 = arith.constant 0 : i32
    return %get3A_0, %c0_i32, %c0_i32_1 : i32, i32, i32
  }
  func.func @transform_6(%arg0: i32, %arg1: memref<47xi32, #tpu.memory_space<smem>>, %arg2: memref<47xi32, #tpu.memory_space<smem>>) -> (i32, i32, i32) {
    %get3A = arith.index_cast %arg0 : i32 to index
    %get3A_0 = memref.load %arg1[%get3A] : memref<47xi32, #tpu.memory_space<smem>>
    %c0_i32 = arith.constant 0 : i32
    %c0_i32_1 = arith.constant 0 : i32
    %c0_i32_2 = arith.constant 0 : i32
    return %get3A_0, %c0_i32, %c0_i32_1 : i32, i32, i32
  }
  func.func @transform_7(%arg0: i32, %arg1: memref<47xi32, #tpu.memory_space<smem>>, %arg2: memref<47xi32, #tpu.memory_space<smem>>) -> (i32, i32, i32) {
    %get3A = arith.index_cast %arg0 : i32 to index
    %get3A_0 = memref.load %arg1[%get3A] : memref<47xi32, #tpu.memory_space<smem>>
    %c0_i32 = arith.constant 0 : i32
    %c0_i32_1 = arith.constant 0 : i32
    %c0_i32_2 = arith.constant 0 : i32
    return %get3A_0, %c0_i32, %c0_i32_1 : i32, i32, i32
  }
  func.func @transform_8(%arg0: i32, %arg1: memref<47xi32, #tpu.memory_space<smem>>, %arg2: memref<47xi32, #tpu.memory_space<smem>>) -> (i32, i32, i32) {
    %get3A = arith.index_cast %arg0 : i32 to index
    %get3A_0 = memref.load %arg1[%get3A] : memref<47xi32, #tpu.memory_space<smem>>
    %c0_i32 = arith.constant 0 : i32
    %c0_i32_1 = arith.constant 0 : i32
    %c0_i32_2 = arith.constant 0 : i32
    return %get3A_0, %c0_i32, %c0_i32_1 : i32, i32, i32
  }
  func.func @transform_9(%arg0: i32, %arg1: memref<47xi32, #tpu.memory_space<smem>>, %arg2: memref<47xi32, #tpu.memory_space<smem>>) -> (i32, i32, i32) {
    %get3A = arith.index_cast %arg0 : i32 to index
    %get3A_0 = memref.load %arg1[%get3A] : memref<47xi32, #tpu.memory_space<smem>>
    %c0_i32 = arith.constant 0 : i32
    %c0_i32_1 = arith.constant 0 : i32
    %c0_i32_2 = arith.constant 0 : i32
    return %get3A_0, %c0_i32, %c0_i32_1 : i32, i32, i32
  }
  func.func @transform_10(%arg0: i32, %arg1: memref<47xi32, #tpu.memory_space<smem>>, %arg2: memref<47xi32, #tpu.memory_space<smem>>) -> (i32, i32, i32) {
    %get3A = arith.index_cast %arg0 : i32 to index
    %get3A_0 = memref.load %arg1[%get3A] : memref<47xi32, #tpu.memory_space<smem>>
    %c0_i32 = arith.constant 0 : i32
    %c0_i32_1 = arith.constant 0 : i32
    %c0_i32_2 = arith.constant 0 : i32
    return %get3A_0, %c0_i32, %c0_i32_1 : i32, i32, i32
  }
  func.func @transform_11(%arg0: i32, %arg1: memref<47xi32, #tpu.memory_space<smem>>, %arg2: memref<47xi32, #tpu.memory_space<smem>>) -> (i32, i32) {
    %c0_i32 = arith.constant 0 : i32
    %c0_i32_0 = arith.constant 0 : i32
    return %arg0, %c0_i32 : i32, i32
  }
}

</mosaic_0001>

<sc_bundles>
// kernel: kernel.10.cloned.1.call-start
scs
__scs_entry_jumppad:
0x0: {  	(pc) =	sbr.rel $0x88, $3  }
0x1: {  	(tag) =	ssettag $0x0;
	lr =	simm.s32 $0x1  }
0x2: {  	[smem:$0x3F92] =	sst lr;
	_ =	strace $0xD0000000  }
0x3: {  	_ = 	snop  }
0x4: {  	_ = 	snop  }
0x5: {  	_ = 	snop  }
0x6: {  	_ = 	snop  }
0x7: {  	_ = 	snop  }
__scs_overlays_trampoline_lowered:
0x8: {  	[smem:$0x3FA1] =	sst s0  }
0x9: {  	[smem:$0x3FA2] =	sst s1  }
0xa: {  	[smem:$0x3FA3] =	sst s2  }
0xb: {  	[smem:$0x3FA4] =	sst s3  }
0xc: {  	[smem:$0x3FA5] =	sst s4  }
0xd: {  	[smem:$0x3FA6] =	sst s5  }
0xe: {  	[smem:$0x3FA7] =	sst s6  }
0xf: {  	[smem:$0x3FA8] =	sst s7  }
0x10: {  	[smem:$0x3FA9] =	sst s8  }
0x11: {  	[smem:$0x3FAA] =	sst s9;
	s0 =	simm.s32 @!p0 $0x0  }
0x12: {  	s1 =	sld [smem:$0x3F90];
	s0 =	simm.s32 @p0 $0x1  }
0x13: {  	[smem:$0x3FAB] =	sst s0;
	s0 =	simm.s32 @!p1 $0x0  }
0x14: {  	s2 =	sld [smem:$0x3F8F];
	s0 =	simm.s32 @p1 $0x1  }
0x15: {  	[smem:$0x3FAC] =	sst s0;
	s0 =	simm.s32 @!p2 $0x0  }
0x16: {  	s3 =	sld [smem:$0x3FDB];
	s0 =	simm.s32 @p2 $0x1  }
0x17: {  	s4 =	simm.s32 $0x1BF5;
	[smem:$0x3FAE] =	sst s0  }
0x18: {  	s0 =	sld [smem:$0x3F91];
	_ =	swait.ge [sflag:s4], $0x0  }
0x19: {  	s7 =	sld [smem:$0x3F92]  }
0x1a: {  	s8 =	sadd.s32 $0xFFFFE003, lr  }
0x1b: {  	s9 =	sadd.s32 $0xFFFFFEF7, lr;
	s5 =	simm.s32 $0xFFFFFFFF;
	p2 =	slt.u32 s8, $0xFFFFF086  }
0x1c: {  	p1 =	slt.u32 s9, $0xF7A;
	s5 =	simm.s32 @!p2 $0x0  }
0x1d: {  	s5 =	simm.s32 @p1 $0x1;
	p0 =	seq.s32 s7, s2  }
0x1e: {  	s7 =	smul.u32 @!p0 $0xF7A, s2;
	p2 =	seq.s32 @!p0 s5, $0x0  }
0x1f: {  	s9 =	smul.u32 $0xF7A, s1;
	s8 =	simm.s32 @!p0 $0x1BF5;
	p2 =	por !p2, p0  }
0x20: {  	[sflag:s8] =	ssyncset.s32 @!p0 $0xFFFFF086;
	s6 =	sadd.s32 @!p0 s3, s7;
	s7 =	simm.s32 @!p0 $0x108  }
0x21: {  	s3 =	sadd.s32 s3, s9;
	s6 =	sadd.s32 @!p0 $0x88, s6;
	s7 =	simm.s32 @p2 $0x1082  }
0x22: {  	[simem:s7], [sflag:s8] =	dma.local @!p0 [hbm:s6], $0xF7A  }
0x23: {  	s9 =	sor.u32 $0xD0000000, s2;
	s6 =	simm.s32 $0x108;
	_ =	swait.ge @!p0 [sflag:s8], $0x0  }
0x24: {  	s3 =	sadd.s32 $0x88, s3;
	s6 =	simm.s32 @!p1 $0x1082;
	[sflag:s4] =	ssyncset.s32 $0xFFFFF086  }
0x25: {  	[simem:s6], [sflag:s4] =	dma.local [hbm:s3], $0xF7A  }
0x26: {  	[smem:$0x3F92] =	sst s1;
	(tag) =	ssettag s2;
	_ =	strace s9  }
0x27: {  	s1 =	sld [smem:$0x3FA2]  }
0x28: {  	s2 =	sld [smem:$0x3FA3]  }
0x29: {  	s4 =	sld [smem:$0x3FA5]  }
0x2a: {  	p0 =	seq.s32 s5, $0x0;
	s5 =	sld [smem:$0x3FA6]  }
0x2b: {  	s6 =	sld [smem:$0x3FA7]  }
0x2c: {  	s7 =	sld [smem:$0x3FA8]  }
0x2d: {  	s3 =	simm.s32 $0x108;
	s8 =	sld [smem:$0x3FA9]  }
0x2e: {  	s3 =	simm.s32 @!p0 $0x1082;
	s9 =	sld [smem:$0x3FAA]  }
0x2f: {  	lr =	sadd.s32 s0, s3;
	s0 =	sld [smem:$0x3FA1]  }
0x30: {  	s3 =	sld [smem:$0x3FA4]  }
0x31: {  	[smem:$0x3FAD] =	sst s10  }
0x32: {  	s10 =	sld [smem:$0x3FAB];
	_ =	sdelay $0x3  }
0x33: {  	p0 =	seq.s32 s10, $0x1;
	s10 =	sld [smem:$0x3FAD];
	_ =	sdelay $0x3  }
0x34: {  	[smem:$0x3FAD] =	sst s10  }
0x35: {  	s10 =	sld [smem:$0x3FAC];
	_ =	sdelay $0x3  }
0x36: {  	p1 =	seq.s32 s10, $0x1;
	s10 =	sld [smem:$0x3FAD];
	_ =	sdelay $0x3  }
0x37: {  	[smem:$0x3FAD] =	sst s10  }
0x38: {  	s10 =	sld [smem:$0x3FAE]  }
0x39: {  	_ = 	snop;
	(pc) =	sbr.ind lr, $3  }
0x3a: {  	_ = 	snop  }
0x3b: {  	_ = 	snop  }
0x3c: {  	p2 =	seq.s32 s10, $0x1;
	s10 =	sld [smem:$0x3FAD]  }
0x3d: {  	_ =	shalt  }
0x3e: {  	_ =	shalt  }
0x3f: {  	_ =	shalt  }
0x40: {  	_ =	shalt  }
0x41: {  	_ =	shalt  }
0x42: {  	_ =	shalt  }
0x43: {  	_ =	shalt  }
0x44: {  	_ =	shalt  }
0x45: {  	_ =	shalt  }
0x46: {  	_ =	shalt  }
0x47: {  	_ =	shalt  }
0x48: {  	_ =	shalt  }
0x49: {  	_ =	shalt  }
0x4a: {  	_ =	shalt  }
0x4b: {  	_ =	shalt  }
0x4c: {  	_ =	shalt  }
0x4d: {  	_ =	shalt  }
0x4e: {  	_ =	shalt  }
0x4f: {  	_ =	shalt  }
0x50: {  	_ =	shalt  }
0x51: {  	_ =	shalt  }
0x52: {  	_ =	shalt  }
0x53: {  	_ =	shalt  }
0x54: {  	_ =	shalt  }
0x55: {  	_ =	shalt  }
0x56: {  	_ =	shalt  }
0x57: {  	_ =	shalt  }
0x58: {  	_ =	shalt  }
0x59: {  	_ =	shalt  }
0x5a: {  	_ =	shalt  }
0x5b: {  	_ =	shalt  }
0x5c: {  	_ =	shalt  }
0x5d: {  	_ =	shalt  }
0x5e: {  	_ =	shalt  }
0x5f: {  	_ =	shalt  }
0x60: {  	_ =	shalt  }
0x61: {  	_ =	shalt  }
0x62: {  	_ =	shalt  }
0x63: {  	_ =	shalt  }
0x64: {  	_ =	shalt  }
0x65: {  	_ =	shalt  }
0x66: {  	_ =	shalt  }
0x67: {  	_ =	shalt  }
0x68: {  	_ =	shalt  }
0x69: {  	_ =	shalt  }
0x6a: {  	_ =	shalt  }
0x6b: {  	_ =	shalt  }
0x6c: {  	_ =	shalt  }
0x6d: {  	_ =	shalt  }
0x6e: {  	_ =	shalt  }
0x6f: {  	_ =	shalt  }
0x70: {  	_ =	shalt  }
0x71: {  	_ =	shalt  }
0x72: {  	_ =	shalt  }
0x73: {  	_ =	shalt  }
0x74: {  	_ =	shalt  }
0x75: {  	_ =	shalt  }
0x76: {  	_ =	shalt  }
0x77: {  	_ =	shalt  }
0x78: {  	_ =	shalt  }
0x79: {  	_ =	shalt  }
0x7a: {  	_ =	shalt  }
0x7b: {  	_ =	shalt  }
0x7c: {  	_ =	shalt  }
0x7d: {  	_ =	shalt  }
0x7e: {  	_ =	shalt  }
0x7f: {  	_ =	shalt  }
0x80: {  	_ =	shalt  }
0x81: {  	_ =	shalt  }
0x82: {  	_ =	shalt  }
0x83: {  	_ =	shalt  }
0x84: {  	_ =	shalt  }
0x85: {  	_ =	shalt  }
0x86: {  	_ =	shalt  }
0x87: {  	_ =	shalt  }
.Lfunc_end0:
.L_simem_size_0:
called_computation.1_lowered:
.L_overlay_start_0:
0x88: {  	s2 =	sld [smem:$0x3FD9]  }
0x89: {  	s3 =	sld [smem:$0x3FFE];
	_ =	sdelay $0x1  }
0x8a: {  	s1 =	srdreg.scid  }
0x8b: {  	s0 =	sand.u32 $0x1, s1  }
0x8c: {  	s17 =	sshll.u32 s0, $0xA;
	s2 =	sadd.s32 s3, s2  }
0x8d: {  	s2 =	sadd.s32 s2, s17  }
0x8e: {  	[smem:$0x3FB9] =	sst s2  }
0x8f: {  	_ = 	snop  }
0x90: {  	s2 =	sld [smem:$0x3FD0];
	(tm) =	ssettm $0x1  }
0x91: {  	s18 =	sld [smem:$0x3FFB];
	_ =	sdelay $0x3  }
0x92: {  	_ =	strace s18  }
0x93: {  	s3 =	sld [smem:$0x3FFC];
	_ =	sdelay $0x3  }
0x94: {  	_ =	strace s3  }
0x95: {  	s3 =	sld [smem:$0x3FFD];
	_ =	sdelay $0x3  }
0x96: {  	_ =	strace s3  }
0x97: {  	_ =	strace $0x8FFFFFFF  }
0x98: {  	s19 =	sld [smem:$0x3FDB];
	_ =	sdelay $0x1  }
0x99: {  	s4 =	simm.s32 $_scs_section_size  }
0x9a: {  	s5 =	simm.s32 $_size__tile_overlayer_lowered;
	s6 =	simm.s32 $_tile_overlayer_lowered  }
0x9b: {  	s22 =	simm.s32 $0x1BFF;
	s21 =	sshll.u32 s6, $0x1;
	s3 =	sadd.s32 s4, s19  }
0x9c: {  	s7 =	simm.s32 $0x0;
	s20 =	sshll.u32 s5, $0x1;
	s5 =	sadd.s32 s21, s3  }
0x9d: {  	[timem:s7], [sflag:s22] =	dma.local [hbm:s5], s20  }
0x9e: {  	_ =	swait.ge [sflag:s22], s20  }
0x9f: {  	s4 =	ssub.s32 $0x0, s20;
	[sflag:s22] =	ssyncset.done $0x0  }
0xa0: {  	[sflag:s22] =	ssyncadd.s32 s4;
	_ =	sdelay $0x1  }
0xa1: {  	s23 =	simm.s32 $0x1B8B  }
0xa2: {  	_ =	swait.ge [sflag:s23], $0x1  }
0xa3: {  	[sflag:s23] =	ssyncset.done $0x0  }
0xa4: {  	s25 =	simm.s32 $0x1B8E;
	s24 =	sld [smem:$0x3FFE];
	[sflag:s23] =	ssyncadd.s32 $0xFFFFFFFF  }
0xa5: {  	s26 =	simm.s32 $execute0_lowered;
	[smem:$0x3FD2] =	sst s25  }
0xa6: {  	s5 =	sshll.u32 s26, $0x1;
	_ =	strace $0x80000049;
	[dreg:$0x1] =	wrdreg $0xFFFFFFFF  }
0xa7: {  	s28 =	simm.s32 $_size_execute0_lowered;
	s3 =	sadd.s32 s3, s5;
	[dreg:$0x0] =	wrdreg $0x0  }
0xa8: {  	s5 =	sshll.u32 s28, $0x1;
	[dreg:$0x2] =	wrdreg s3  }
0xa9: {  	[dreg:$0x3] =	wrdreg s5  }
0xaa: {  	[dreg:$0x4] =	wrdreg $0xC0  }
0xab: {  	_ =	task [dreg:s7], $0x5FFFF  }
0xac: {  	[dreg:$0x1] =	wrdreg $0xFFFFFFFF  }
0xad: {  	[dreg:$0x0] =	wrdreg $0x60  }
0xae: {  	[dreg:$0x2] =	wrdreg s24  }
0xaf: {  	[dreg:$0x3] =	wrdreg s2  }
0xb0: {  	[dreg:$0x4] =	wrdreg $0x9  }
0xb1: {  	_ =	task.clear_ibuf [dreg:s7], $0x5FFFF;
	_ =	strace $0x90000049  }
0xb2: {  	s29 =	simm.s32 $0x9;
	_ =	strace $0x8000004B  }
0xb3: {  	_ =	swait.ge [sflag:s29], $0x1  }
0xb4: {  	[sflag:s29] =	ssyncadd.s32 $0xFFFFFFFF  }
0xb5: {  	_ =	strace $0x9000004B  }
0xb6: {  	_ =	sfence  }
0xb7: {  	s30 =	sld [smem:$0x0];
	_ =	sdelay $0x2  }
0xb8: {  	s31 =	sshll.u32 s1, $0xD;
	s1 =	sshrl.u32 s1, $0x2  }
0xb9: {  	s3 =	sand.u32 $0x4000, s31;
	s1 =	sadd.s32 s1, s30  }
0xba: {  	s0 =	sor.u32 s3, s0;
	s1 =	sshll.u32 s1, $0x11  }
0xbb: {  	s0 =	sor.u32 s1, s0  }
0xbc: {  	s0 =	sadd.s32 $0x8F2B, s0  }
0xbd: {  	[sflag:s0] =	ssyncadd.remote.s32 $0x1  }
0xbe: {  	_ =	sfence.sel $0xFFFF  }
0xbf: {  	[dreg:$0x0] =	wrdreg $0xFFFFFFFF;
	(pc) =	sbr.abs _section_cstart, $3  }
0xc0: {  	[dreg:$0x1] =	wrdreg $0xFFFFFFFF  }
0xc1: {  	_ =	task.clear_ibuf [dreg:s7], $0x2FFFF;
	_ =	strace $0x9FFFFFFF  }
0xc2: {  	(tm) =	ssettm $0x7FFFFFFF  }
0xc3: {  	_ =	shalt  }
tec
execute0_lowered:
.L_overlay_start_1:
0x0: {  	(tag) =	ssettag $0x1  }
0x1: {  	s0 =	rddreg [dreg:$0x0]  }
0x2: {  	s1 =	rddreg [dreg:$0x1];
	s3 =	srdreg.scid;
	s2 =	simm.s32 $0x0  }
0x3: {  	s5 =	stileid.u32;
	s24 =	simm.s32 $0x80;
	s25 =	simm.s32 $0x100  }
0x4: {  	s26 =	simm.s32 $0x180;
	s10 =	simm.s32 $0x2;
	s11 =	simm.s32 $0x3  }
0x5: {  	s12 =	simm.s32 $0x4;
	s28 =	simm.s32 $0x13A00;
	s29 =	simm.s32 $0x14200  }
0x6: {  	s30 =	simm.s32 $0x14A00;
	s31 =	simm.s32 $0x15200;
	s4 =	sand.u32 $0x1, s3  }
0x7: {  	[smem:$0x7FF] =	sst s2;
	s14 =	sshll.u32 s5, $0x5;
	s6 =	sadd.s32 $0x1E00, s0  }
0x8: {  	s3 =	sadd.s32 $0x11C200, s0;
	_ =	strace $0x8000004A;
	[dreg:$0xb] =	wrdreg s24  }
0x9: {  	s9 =	sadd.s32 $0x2000, s0;
	s19 =	sadd.s32 $0x2200, s0;
	[dreg:$0xc] =	wrdreg s25  }
0xa: {  	s15 =	sshll.u32 s4, $0x4;
	s4 =	ssub.s32 $0x2, s4;
	[dreg:$0xd] =	wrdreg s26  }
0xb: {  	s24 =	simm.s32 $0x12200;
	s25 =	simm.s32 $0x12A00;
	s26 =	simm.s32 $0x13200  }
0xc: {  	s5 =	sor.u32 s15, s14;
	s21 =	sshrl.u32 s4, $0x1;
	s15 =	simm.s32 $0xDA00  }
0xd: {  	s7 =	sadd.s32 s6, s5;
	s8 =	sor.u32 $0x8, s5;
	s16 =	sadd.s32 s9, s5  }
0xe: {  	s5 =	smul.u32 $0x300, s5;
	[dreg:$0x3] =	wrdreg s7;
	s6 =	sadd.s32 s6, s8  }
0xf: {  	[dreg:$0x5] =	wrdreg s16;
	s17 =	sadd.s32 s9, s8;
	s18 =	smul.u32 $0x300, s8  }
0x10: {  	s7 =	simm.s32 $0x5;
	s9 =	simm.s32 $0x1;
	[dreg:$0x4] =	wrdreg s6  }
0x11: {  	s16 =	simm.s32 $0xE200;
	[dreg:$0x6] =	wrdreg s17;
	s20 =	sadd.s32 s1, s5  }
0x12: {  	s22 =	sadd.s32 s19, s5;
	s6 =	ssub.s32 s4, s21;
	s4 =	sadd.s32 $0x11C300, s0  }
0x13: {  	s5 =	sadd.s32 $0x11C400, s0;
	s17 =	simm.s32 $0xEA00;
	[dreg:$0x7] =	wrdreg s20  }
0x14: {  	s21 =	simm.s32 $0x10A00;
	s1 =	sadd.s32 s1, s18;
	[dreg:$0x9] =	wrdreg s22  }
0x15: {  	v2 =	vlaneseq.u32;
	s23 =	sadd.s32 s19, s18;
	s6 =	smax.u32 s6, $0x1;
	s18 =	simm.s32 $0xF200  }
0x16: {  	vm0 =	vmmov $0xffff;
	v1 =	vshrl.u32 v2, $0x3;
	s19 =	simm.s32 $0xFA00;
	s20 =	simm.s32 $0x10200;
	[dreg:$0x8] =	wrdreg s1  }
0x17: {  	v0 =	vand.u32 $0x7, v2;
	v2 =	vor.u32 $0x8, v2;
	v1 =	vmul.u32 $0x8, v1;
	s22 =	simm.s32 $0x11200;
	[dreg:$0xa] =	wrdreg s23;
	s23 =	simm.s32 $0x11A00  }
.LBB2_1:
0x18: {  	s13 =	rddreg [dreg:$0x3]  }
0x19: {  	[tilespmem:s2], [sflag:$0x5] =	stream.linear.gather [hbm4b:s13+s2], $0x40, $0x38;
	[tilespmem:$0x18200] =	vst v63  }
0x1a: {  	_ =	swait.ge [sflag:s7], $0x40  }
0x1b: {  	[sflag:s7] =	ssyncset.done $0x0  }
0x1c: {  	[sflag:s7] =	ssyncadd.s32 $0xFFFFFFC0  }
0x1d: {  	v3 =	vld [tilespmem:$0x0];
	_ =	sdelay $0x4  }
0x1e: {  	v4 =	vshrl.u32 v3, $0x3  }
0x1f: {  	v4 =	vmul.u32 $0x30, v4  }
0x20: {  	v3 =	vand.u32 $0x7, v3  }
0x21: {  	v3 =	vor.u32 v3, v4  }
0x22: {  	v4 =	vperm.xlane v3, v0;
	_ =	sdelay $0x1  }
0x23: {  	v4 =	vadd.s32 v1, v4;
	_ =	sdelay $0x3  }
0x24: {  	s0 =	simm.s32 $0x200;
	v3 =	vperm.xlane v3, v2  }
0x25: {  	[tilespmem:s0], [sflag:$0x1] =	stream.indirect_vreg.gather [hbm4b:s3+s2], $0x80, v4, vm0, $0xb8;
	[tilespmem:$0x18200] =	vst v63  }
0x26: {  	s13 =	simm.s32 $0xA00;
	v3 =	vadd.s32 v1, v3  }
0x27: {  	[tilespmem:s13], [sflag:$0x1] =	stream.indirect_vreg.gather [hbm4b:s4+s2], $0x80, v4, vm0, $0xb8;
	[tilespmem:$0x18200] =	vst v63  }
0x28: {  	s14 =	simm.s32 $0x1200  }
0x29: {  	[tilespmem:s14], [sflag:$0x1] =	stream.indirect_vreg.gather [hbm4b:s5+s2], $0x80, v4, vm0, $0xb8;
	[tilespmem:$0x18200] =	vst v63  }
0x2a: {  	s1 =	simm.s32 $0x1A00  }
0x2b: {  	[tilespmem:s1], [sflag:$0x1] =	stream.indirect_vreg.gather [hbm4b:s3+s2], $0x80, v3, vm0, $0xb8;
	[tilespmem:$0x18200] =	vst v63  }
0x2c: {  	s8 =	simm.s32 $0x2200  }
0x2d: {  	[tilespmem:s8], [sflag:$0x1] =	stream.indirect_vreg.gather [hbm4b:s4+s2], $0x80, v3, vm0, $0xb8;
	[tilespmem:$0x18200] =	vst v63  }
0x2e: {  	s13 =	simm.s32 $0x2A00  }
0x2f: {  	[tilespmem:s13], [sflag:$0x1] =	stream.indirect_vreg.gather [hbm4b:s5+s2], $0x80, v3, vm0, $0xb8;
	[tilespmem:$0x18200] =	vst v63  }
0x30: {  	v3 =	vld [tilespmem:$0x10];
	_ =	sdelay $0x4  }
0x31: {  	v49 =	vshrl.u32 v3, $0x3  }
0x32: {  	v4 =	vmul.u32 $0x30, v49  }
0x33: {  	v3 =	vand.u32 $0x7, v3  }
0x34: {  	v3 =	vor.u32 v3, v4  }
0x35: {  	v4 =	vperm.xlane v3, v0;
	_ =	sdelay $0x1  }
0x36: {  	v4 =	vadd.s32 v1, v4;
	_ =	sdelay $0x3  }
0x37: {  	s14 =	simm.s32 $0x3200;
	v3 =	vperm.xlane v3, v2  }
0x38: {  	[tilespmem:s14], [sflag:$0x1] =	stream.indirect_vreg.gather [hbm4b:s3+s2], $0x80, v4, vm0, $0xb8;
	[tilespmem:$0x18200] =	vst v63  }
0x39: {  	s1 =	simm.s32 $0x3A00;
	v3 =	vadd.s32 v1, v3  }
0x3a: {  	[tilespmem:s1], [sflag:$0x1] =	stream.indirect_vreg.gather [hbm4b:s4+s2], $0x80, v4, vm0, $0xb8;
	[tilespmem:$0x18200] =	vst v63  }
0x3b: {  	s8 =	simm.s32 $0x4200  }
0x3c: {  	[tilespmem:s8], [sflag:$0x1] =	stream.indirect_vreg.gather [hbm4b:s5+s2], $0x80, v4, vm0, $0xb8;
	[tilespmem:$0x18200] =	vst v63  }
0x3d: {  	s13 =	simm.s32 $0x4A00  }
0x3e: {  	[tilespmem:s13], [sflag:$0x1] =	stream.indirect_vreg.gather [hbm4b:s3+s2], $0x80, v3, vm0, $0xb8;
	[tilespmem:$0x18200] =	vst v63  }
0x3f: {  	s14 =	simm.s32 $0x5200  }
0x40: {  	[tilespmem:s14], [sflag:$0x1] =	stream.indirect_vreg.gather [hbm4b:s4+s2], $0x80, v3, vm0, $0xb8;
	[tilespmem:$0x18200] =	vst v63  }
0x41: {  	s1 =	simm.s32 $0x5A00  }
0x42: {  	[tilespmem:s1], [sflag:$0x1] =	stream.indirect_vreg.gather [hbm4b:s5+s2], $0x80, v3, vm0, $0xb8;
	[tilespmem:$0x18200] =	vst v63  }
0x43: {  	v3 =	vld [tilespmem:$0x20];
	_ =	sdelay $0x4  }
0x44: {  	v50 =	vshrl.u32 v3, $0x3  }
0x45: {  	v4 =	vmul.u32 $0x30, v50  }
0x46: {  	v3 =	vand.u32 $0x7, v3  }
0x47: {  	v3 =	vor.u32 v3, v4  }
0x48: {  	v4 =	vperm.xlane v3, v0;
	_ =	sdelay $0x1  }
0x49: {  	v4 =	vadd.s32 v1, v4;
	_ =	sdelay $0x3  }
0x4a: {  	s8 =	simm.s32 $0x6200;
	v3 =	vperm.xlane v3, v2  }
0x4b: {  	[tilespmem:s8], [sflag:$0x1] =	stream.indirect_vreg.gather [hbm4b:s3+s2], $0x80, v4, vm0, $0xb8;
	[tilespmem:$0x18200] =	vst v63  }
0x4c: {  	s13 =	simm.s32 $0x6A00;
	v3 =	vadd.s32 v1, v3  }
0x4d: {  	[tilespmem:s13], [sflag:$0x1] =	stream.indirect_vreg.gather [hbm4b:s4+s2], $0x80, v4, vm0, $0xb8;
	[tilespmem:$0x18200] =	vst v63  }
0x4e: {  	s14 =	simm.s32 $0x7200  }
0x4f: {  	[tilespmem:s14], [sflag:$0x1] =	stream.indirect_vreg.gather [hbm4b:s5+s2], $0x80, v4, vm0, $0xb8;
	[tilespmem:$0x18200] =	vst v63  }
0x50: {  	s1 =	simm.s32 $0x7A00  }
0x51: {  	[tilespmem:s1], [sflag:$0x1] =	stream.indirect_vreg.gather [hbm4b:s3+s2], $0x80, v3, vm0, $0xb8;
	[tilespmem:$0x18200] =	vst v63  }
0x52: {  	s8 =	simm.s32 $0x8200  }
0x53: {  	[tilespmem:s8], [sflag:$0x1] =	stream.indirect_vreg.gather [hbm4b:s4+s2], $0x80, v3, vm0, $0xb8;
	[tilespmem:$0x18200] =	vst v63  }
0x54: {  	s13 =	simm.s32 $0x8A00  }
0x55: {  	[tilespmem:s13], [sflag:$0x1] =	stream.indirect_vreg.gather [hbm4b:s5+s2], $0x80, v3, vm0, $0xb8;
	[tilespmem:$0x18200] =	vst v63  }
0x56: {  	v3 =	vld [tilespmem:$0x30];
	_ =	sdelay $0x4  }
0x57: {  	v51 =	vshrl.u32 v3, $0x3  }
0x58: {  	v4 =	vmul.u32 $0x30, v51  }
0x59: {  	v3 =	vand.u32 $0x7, v3  }
0x5a: {  	v3 =	vor.u32 v3, v4  }
0x5b: {  	v4 =	vperm.xlane v3, v0;
	_ =	sdelay $0x1  }
0x5c: {  	v4 =	vadd.s32 v1, v4;
	_ =	sdelay $0x3  }
0x5d: {  	s14 =	simm.s32 $0x9200;
	v3 =	vperm.xlane v3, v2  }
0x5e: {  	[tilespmem:s14], [sflag:$0x1] =	stream.indirect_vreg.gather [hbm4b:s3+s2], $0x80, v4, vm0, $0xb8;
	[tilespmem:$0x18200] =	vst v63  }
0x5f: {  	s1 =	simm.s32 $0x9A00;
	v3 =	vadd.s32 v1, v3  }
0x60: {  	[tilespmem:s1], [sflag:$0x1] =	stream.indirect_vreg.gather [hbm4b:s4+s2], $0x80, v4, vm0, $0xb8;
	[tilespmem:$0x18200] =	vst v63  }
0x61: {  	s8 =	simm.s32 $0xA200  }
0x62: {  	[tilespmem:s8], [sflag:$0x1] =	stream.indirect_vreg.gather [hbm4b:s5+s2], $0x80, v4, vm0, $0xb8;
	[tilespmem:$0x18200] =	vst v63  }
0x63: {  	s13 =	simm.s32 $0xAA00  }
0x64: {  	[tilespmem:s13], [sflag:$0x1] =	stream.indirect_vreg.gather [hbm4b:s3+s2], $0x80, v3, vm0, $0xb8;
	[tilespmem:$0x18200] =	vst v63  }
0x65: {  	s14 =	simm.s32 $0xB200  }
0x66: {  	[tilespmem:s14], [sflag:$0x1] =	stream.indirect_vreg.gather [hbm4b:s4+s2], $0x80, v3, vm0, $0xb8;
	[tilespmem:$0x18200] =	vst v63  }
0x67: {  	s1 =	rddreg [dreg:$0x4];
	s8 =	simm.s32 $0xBA00  }
0x68: {  	[tilespmem:s8], [sflag:$0x1] =	stream.indirect_vreg.gather [hbm4b:s5+s2], $0x80, v3, vm0, $0xb8;
	[tilespmem:$0x18200] =	vst v63  }
0x69: {  	s14 =	rddreg [dreg:$0xb]  }
0x6a: {  	[tilespmem:s14], [sflag:$0x5] =	stream.linear.gather [hbm4b:s1+s2], $0x40, $0x38;
	[tilespmem:$0x18200] =	vst v63  }
0x6b: {  	_ =	swait.ge [sflag:s7], $0x40  }
0x6c: {  	[sflag:s7] =	ssyncset.done $0x0  }
0x6d: {  	[sflag:s7] =	ssyncadd.s32 $0xFFFFFFC0  }
0x6e: {  	v3 =	vld [tilespmem:$0x80];
	_ =	sdelay $0x4  }
0x6f: {  	v52 =	vshrl.u32 v3, $0x3  }
0x70: {  	v4 =	vmul.u32 $0x30, v52  }
0x71: {  	v3 =	vand.u32 $0x7, v3  }
0x72: {  	v3 =	vor.u32 v3, v4  }
0x73: {  	v4 =	vperm.xlane v3, v0;
	_ =	sdelay $0x1  }
0x74: {  	v4 =	vadd.s32 v1, v4;
	_ =	sdelay $0x3  }
0x75: {  	s0 =	simm.s32 $0xC200;
	v3 =	vperm.xlane v3, v2  }
0x76: {  	[tilespmem:s0], [sflag:$0x2] =	stream.indirect_vreg.gather [hbm4b:s3+s2], $0x80, v4, vm0, $0xb8;
	[tilespmem:$0x18200] =	vst v63  }
0x77: {  	s1 =	simm.s32 $0xCA00;
	v3 =	vadd.s32 v1, v3  }
0x78: {  	[tilespmem:s1], [sflag:$0x2] =	stream.indirect_vreg.gather [hbm4b:s4+s2], $0x80, v4, vm0, $0xb8;
	[tilespmem:$0x18200] =	vst v63  }
0x79: {  	s8 =	simm.s32 $0xD200  }
0x7a: {  	[tilespmem:s8], [sflag:$0x2] =	stream.indirect_vreg.gather [hbm4b:s5+s2], $0x80, v4, vm0, $0xb8;
	[tilespmem:$0x18200] =	vst v63  }
0x7b: {  	_ = 	snop  }
0x7c: {  	[tilespmem:s15], [sflag:$0x2] =	stream.indirect_vreg.gather [hbm4b:s3+s2], $0x80, v3, vm0, $0xb8;
	[tilespmem:$0x18200] =	vst v63  }
0x7d: {  	_ = 	snop  }
0x7e: {  	[tilespmem:s16], [sflag:$0x2] =	stream.indirect_vreg.gather [hbm4b:s4+s2], $0x80, v3, vm0, $0xb8;
	[tilespmem:$0x18200] =	vst v63  }
0x7f: {  	_ = 	snop  }
0x80: {  	[tilespmem:s17], [sflag:$0x2] =	stream.indirect_vreg.gather [hbm4b:s5+s2], $0x80, v3, vm0, $0xb8;
	[tilespmem:$0x18200] =	vst v63  }
0x81: {  	v3 =	vld [tilespmem:$0x90];
	_ =	sdelay $0x4  }
0x82: {  	v53 =	vshrl.u32 v3, $0x3  }
0x83: {  	v4 =	vmul.u32 $0x30, v53  }
0x84: {  	v3 =	vand.u32 $0x7, v3  }
0x85: {  	v3 =	vor.u32 v3, v4  }
0x86: {  	v4 =	vperm.xlane v3, v0;
	_ =	sdelay $0x1  }
0x87: {  	v4 =	vadd.s32 v1, v4;
	_ =	sdelay $0x3  }
0x88: {  	v3 =	vperm.xlane v3, v2  }
0x89: {  	[tilespmem:s18], [sflag:$0x2] =	stream.indirect_vreg.gather [hbm4b:s3+s2], $0x80, v4, vm0, $0xb8;
	[tilespmem:$0x18200] =	vst v63  }
0x8a: {  	v3 =	vadd.s32 v1, v3  }
0x8b: {  	[tilespmem:s19], [sflag:$0x2] =	stream.indirect_vreg.gather [hbm4b:s4+s2], $0x80, v4, vm0, $0xb8;
	[tilespmem:$0x18200] =	vst v63  }
0x8c: {  	_ = 	snop  }
0x8d: {  	[tilespmem:s20], [sflag:$0x2] =	stream.indirect_vreg.gather [hbm4b:s5+s2], $0x80, v4, vm0, $0xb8;
	[tilespmem:$0x18200] =	vst v63  }
0x8e: {  	_ = 	snop  }
0x8f: {  	[tilespmem:s21], [sflag:$0x2] =	stream.indirect_vreg.gather [hbm4b:s3+s2], $0x80, v3, vm0, $0xb8;
	[tilespmem:$0x18200] =	vst v63  }
0x90: {  	_ = 	snop  }
0x91: {  	[tilespmem:s22], [sflag:$0x2] =	stream.indirect_vreg.gather [hbm4b:s4+s2], $0x80, v3, vm0, $0xb8;
	[tilespmem:$0x18200] =	vst v63  }
0x92: {  	_ = 	snop  }
0x93: {  	[tilespmem:s23], [sflag:$0x2] =	stream.indirect_vreg.gather [hbm4b:s5+s2], $0x80, v3, vm0, $0xb8;
	[tilespmem:$0x18200] =	vst v63  }
0x94: {  	v3 =	vld [tilespmem:$0xA0];
	_ =	sdelay $0x4  }
0x95: {  	v54 =	vshrl.u32 v3, $0x3  }
0x96: {  	v4 =	vmul.u32 $0x30, v54  }
0x97: {  	v3 =	vand.u32 $0x7, v3  }
0x98: {  	v3 =	vor.u32 v3, v4  }
0x99: {  	v4 =	vperm.xlane v3, v0;
	_ =	sdelay $0x1  }
0x9a: {  	v4 =	vadd.s32 v1, v4;
	_ =	sdelay $0x3  }
0x9b: {  	v3 =	vperm.xlane v3, v2  }
0x9c: {  	[tilespmem:s24], [sflag:$0x2] =	stream.indirect_vreg.gather [hbm4b:s3+s2], $0x80, v4, vm0, $0xb8;
	[tilespmem:$0x18200] =	vst v63  }
0x9d: {  	v3 =	vadd.s32 v1, v3  }
0x9e: {  	[tilespmem:s25], [sflag:$0x2] =	stream.indirect_vreg.gather [hbm4b:s4+s2], $0x80, v4, vm0, $0xb8;
	[tilespmem:$0x18200] =	vst v63  }
0x9f: {  	_ = 	snop  }
0xa0: {  	[tilespmem:s26], [sflag:$0x2] =	stream.indirect_vreg.gather [hbm4b:s5+s2], $0x80, v4, vm0, $0xb8;
	[tilespmem:$0x18200] =	vst v63  }
0xa1: {  	_ = 	snop  }
0xa2: {  	[tilespmem:s28], [sflag:$0x2] =	stream.indirect_vreg.gather [hbm4b:s3+s2], $0x80, v3, vm0, $0xb8;
	[tilespmem:$0x18200] =	vst v63  }
0xa3: {  	_ = 	snop  }
0xa4: {  	[tilespmem:s29], [sflag:$0x2] =	stream.indirect_vreg.gather [hbm4b:s4+s2], $0x80, v3, vm0, $0xb8;
	[tilespmem:$0x18200] =	vst v63  }
0xa5: {  	_ = 	snop  }
0xa6: {  	[tilespmem:s30], [sflag:$0x2] =	stream.indirect_vreg.gather [hbm4b:s5+s2], $0x80, v3, vm0, $0xb8;
	[tilespmem:$0x18200] =	vst v63  }
0xa7: {  	v3 =	vld [tilespmem:$0xB0];
	_ =	sdelay $0x4  }
0xa8: {  	v55 =	vshrl.u32 v3, $0x3  }
0xa9: {  	v4 =	vmul.u32 $0x30, v55  }
0xaa: {  	v3 =	vand.u32 $0x7, v3  }
0xab: {  	v3 =	vor.u32 v3, v4  }
0xac: {  	v4 =	vperm.xlane v3, v0;
	_ =	sdelay $0x1  }
0xad: {  	v4 =	vadd.s32 v1, v4;
	_ =	sdelay $0x3  }
0xae: {  	v3 =	vperm.xlane v3, v2  }
0xaf: {  	[tilespmem:s31], [sflag:$0x2] =	stream.indirect_vreg.gather [hbm4b:s3+s2], $0x80, v4, vm0, $0xb8;
	[tilespmem:$0x18200] =	vst v63  }
0xb0: {  	s13 =	simm.s32 $0x15A00;
	v3 =	vadd.s32 v1, v3  }
0xb1: {  	[tilespmem:s13], [sflag:$0x2] =	stream.indirect_vreg.gather [hbm4b:s4+s2], $0x80, v4, vm0, $0xb8;
	[tilespmem:$0x18200] =	vst v63  }
0xb2: {  	s14 =	simm.s32 $0x16200  }
0xb3: {  	[tilespmem:s14], [sflag:$0x2] =	stream.indirect_vreg.gather [hbm4b:s5+s2], $0x80, v4, vm0, $0xb8;
	[tilespmem:$0x18200] =	vst v63  }
0xb4: {  	s13 =	simm.s32 $0x16A00  }
0xb5: {  	[tilespmem:s13], [sflag:$0x2] =	stream.indirect_vreg.gather [hbm4b:s3+s2], $0x80, v3, vm0, $0xb8;
	[tilespmem:$0x18200] =	vst v63  }
0xb6: {  	s14 =	simm.s32 $0x17200  }
0xb7: {  	[tilespmem:s14], [sflag:$0x2] =	stream.indirect_vreg.gather [hbm4b:s4+s2], $0x80, v3, vm0, $0xb8;
	[tilespmem:$0x18200] =	vst v63  }
0xb8: {  	s1 =	simm.s32 $0x17A00;
	s13 =	rddreg [dreg:$0x5]  }
0xb9: {  	[tilespmem:s1], [sflag:$0x2] =	stream.indirect_vreg.gather [hbm4b:s5+s2], $0x80, v3, vm0, $0xb8;
	[tilespmem:$0x18200] =	vst v63  }
0xba: {  	s14 =	rddreg [dreg:$0xc]  }
0xbb: {  	[tilespmem:s14], [sflag:$0x5] =	stream.linear.gather [hbm4b:s13+s2], $0x40, $0x38;
	[tilespmem:$0x18200] =	vst v63  }
0xbc: {  	_ =	swait.ge [sflag:s7], $0x40  }
0xbd: {  	s13 =	rddreg [dreg:$0x6];
	[sflag:s7] =	ssyncset.done $0x0  }
0xbe: {  	s14 =	rddreg [dreg:$0xd];
	[sflag:s7] =	ssyncadd.s32 $0xFFFFFFC0  }
0xbf: {  	[tilespmem:s14], [sflag:$0x5] =	stream.linear.gather [hbm4b:s13+s2], $0x40, $0x38;
	[tilespmem:$0x18200] =	vst v63  }
0xc0: {  	_ =	swait.ge [sflag:s7], $0x40  }
0xc1: {  	[sflag:s7] =	ssyncset.done $0x0  }
0xc2: {  	[sflag:s7] =	ssyncadd.s32 $0xFFFFFFC0  }
0xc3: {  	_ =	swait.ge [sflag:s9], $0xC000  }
0xc4: {  	[sflag:s9] =	ssyncset.done $0x0  }
0xc5: {  	s14 =	simm.s32 $0x200;
	s13 =	rddreg [dreg:$0x7];
	[sflag:s9] =	ssyncadd.s32 $0xFFFF4000  }
0xc6: {  	[hbm4b:s13+s2] =	stream.linear.scatter [tilespmem:s14], [sflag:$0x3], $0xC000, $0x38;
	[tilespmem:$0x18200] =	vst v63  }
0xc7: {  	_ =	swait.ge [sflag:s10], $0xC000  }
0xc8: {  	[sflag:s10] =	ssyncset.done $0x0  }
0xc9: {  	s13 =	rddreg [dreg:$0x8];
	[sflag:s10] =	ssyncadd.s32 $0xFFFF4000  }
0xca: {  	[hbm4b:s13+s2] =	stream.linear.scatter [tilespmem:s0], [sflag:$0x4], $0xC000, $0x38;
	[tilespmem:$0x18200] =	vst v63  }
0xcb: {  	_ =	swait.ge [sflag:s11], $0xC000  }
0xcc: {  	[sflag:s11] =	ssyncset.done $0x0  }
0xcd: {  	[sflag:s11] =	ssyncadd.s32 $0xFFFF4000  }
0xce: {  	v3 =	vld [tilespmem:$0x100];
	_ =	sdelay $0x4  }
0xcf: {  	v56 =	vshrl.u32 v3, $0x3  }
0xd0: {  	v4 =	vmul.u32 $0x30, v56  }
0xd1: {  	v3 =	vand.u32 $0x7, v3  }
0xd2: {  	v3 =	vor.u32 v3, v4  }
0xd3: {  	v4 =	vperm.xlane v3, v0;
	_ =	sdelay $0x1  }
0xd4: {  	v4 =	vadd.s32 v1, v4;
	_ =	sdelay $0x3  }
0xd5: {  	v3 =	vperm.xlane v3, v2  }
0xd6: {  	[tilespmem:s14], [sflag:$0x1] =	stream.indirect_vreg.gather [hbm4b:s3+s2], $0x80, v4, vm0, $0xb8;
	[tilespmem:$0x18200] =	vst v63  }
0xd7: {  	s13 =	simm.s32 $0xA00;
	v3 =	vadd.s32 v1, v3  }
0xd8: {  	[tilespmem:s13], [sflag:$0x1] =	stream.indirect_vreg.gather [hbm4b:s4+s2], $0x80, v4, vm0, $0xb8;
	[tilespmem:$0x18200] =	vst v63  }
0xd9: {  	s13 =	simm.s32 $0x1200  }
0xda: {  	[tilespmem:s13], [sflag:$0x1] =	stream.indirect_vreg.gather [hbm4b:s5+s2], $0x80, v4, vm0, $0xb8;
	[tilespmem:$0x18200] =	vst v63  }
0xdb: {  	s13 =	simm.s32 $0x1A00  }
0xdc: {  	[tilespmem:s13], [sflag:$0x1] =	stream.indirect_vreg.gather [hbm4b:s3+s2], $0x80, v3, vm0, $0xb8;
	[tilespmem:$0x18200] =	vst v63  }
0xdd: {  	s13 =	simm.s32 $0x2200  }
0xde: {  	[tilespmem:s13], [sflag:$0x1] =	stream.indirect_vreg.gather [hbm4b:s4+s2], $0x80, v3, vm0, $0xb8;
	[tilespmem:$0x18200] =	vst v63  }
0xdf: {  	s13 =	simm.s32 $0x2A00  }
0xe0: {  	[tilespmem:s13], [sflag:$0x1] =	stream.indirect_vreg.gather [hbm4b:s5+s2], $0x80, v3, vm0, $0xb8;
	[tilespmem:$0x18200] =	vst v63  }
0xe1: {  	v3 =	vld [tilespmem:$0x110];
	_ =	sdelay $0x4  }
0xe2: {  	v57 =	vshrl.u32 v3, $0x3  }
0xe3: {  	v4 =	vmul.u32 $0x30, v57  }
0xe4: {  	v3 =	vand.u32 $0x7, v3  }
0xe5: {  	v3 =	vor.u32 v3, v4  }
0xe6: {  	v4 =	vperm.xlane v3, v0;
	_ =	sdelay $0x1  }
0xe7: {  	v4 =	vadd.s32 v1, v4;
	_ =	sdelay $0x3  }
0xe8: {  	s13 =	simm.s32 $0x3200;
	v3 =	vperm.xlane v3, v2  }
0xe9: {  	[tilespmem:s13], [sflag:$0x1] =	stream.indirect_vreg.gather [hbm4b:s3+s2], $0x80, v4, vm0, $0xb8;
	[tilespmem:$0x18200] =	vst v63  }
0xea: {  	v3 =	vadd.s32 v1, v3;
	s13 =	simm.s32 $0x3A00  }
0xeb: {  	[tilespmem:s13], [sflag:$0x1] =	stream.indirect_vreg.gather [hbm4b:s4+s2], $0x80, v4, vm0, $0xb8;
	[tilespmem:$0x18200] =	vst v63  }
0xec: {  	s13 =	simm.s32 $0x4200  }
0xed: {  	[tilespmem:s13], [sflag:$0x1] =	stream.indirect_vreg.gather [hbm4b:s5+s2], $0x80, v4, vm0, $0xb8;
	[tilespmem:$0x18200] =	vst v63  }
0xee: {  	s13 =	simm.s32 $0x4A00  }
0xef: {  	[tilespmem:s13], [sflag:$0x1] =	stream.indirect_vreg.gather [hbm4b:s3+s2], $0x80, v3, vm0, $0xb8;
	[tilespmem:$0x18200] =	vst v63  }
0xf0: {  	s13 =	simm.s32 $0x5200  }
0xf1: {  	[tilespmem:s13], [sflag:$0x1] =	stream.indirect_vreg.gather [hbm4b:s4+s2], $0x80, v3, vm0, $0xb8;
	[tilespmem:$0x18200] =	vst v63  }
0xf2: {  	s13 =	simm.s32 $0x5A00  }
0xf3: {  	[tilespmem:s13], [sflag:$0x1] =	stream.indirect_vreg.gather [hbm4b:s5+s2], $0x80, v3, vm0, $0xb8;
	[tilespmem:$0x18200] =	vst v63  }
0xf4: {  	v3 =	vld [tilespmem:$0x120];
	_ =	sdelay $0x4  }
0xf5: {  	v58 =	vshrl.u32 v3, $0x3  }
0xf6: {  	v4 =	vmul.u32 $0x30, v58  }
0xf7: {  	v3 =	vand.u32 $0x7, v3  }
0xf8: {  	v3 =	vor.u32 v3, v4  }
0xf9: {  	v4 =	vperm.xlane v3, v0;
	_ =	sdelay $0x1  }
0xfa: {  	v4 =	vadd.s32 v1, v4;
	_ =	sdelay $0x3  }
0xfb: {  	s13 =	simm.s32 $0x6200;
	v3 =	vperm.xlane v3, v2  }
0xfc: {  	[tilespmem:s13], [sflag:$0x1] =	stream.indirect_vreg.gather [hbm4b:s3+s2], $0x80, v4, vm0, $0xb8;
	[tilespmem:$0x18200] =	vst v63  }
0xfd: {  	v3 =	vadd.s32 v1, v3;
	s13 =	simm.s32 $0x6A00  }
0xfe: {  	[tilespmem:s13], [sflag:$0x1] =	stream.indirect_vreg.gather [hbm4b:s4+s2], $0x80, v4, vm0, $0xb8;
	[tilespmem:$0x18200] =	vst v63  }
0xff: {  	s13 =	simm.s32 $0x7200  }
0x100: {  	[tilespmem:s13], [sflag:$0x1] =	stream.indirect_vreg.gather [hbm4b:s5+s2], $0x80, v4, vm0, $0xb8;
	[tilespmem:$0x18200] =	vst v63  }
0x101: {  	s13 =	simm.s32 $0x7A00  }
0x102: {  	[tilespmem:s13], [sflag:$0x1] =	stream.indirect_vreg.gather [hbm4b:s3+s2], $0x80, v3, vm0, $0xb8;
	[tilespmem:$0x18200] =	vst v63  }
0x103: {  	s13 =	simm.s32 $0x8200  }
0x104: {  	[tilespmem:s13], [sflag:$0x1] =	stream.indirect_vreg.gather [hbm4b:s4+s2], $0x80, v3, vm0, $0xb8;
	[tilespmem:$0x18200] =	vst v63  }
0x105: {  	s13 =	simm.s32 $0x8A00  }
0x106: {  	[tilespmem:s13], [sflag:$0x1] =	stream.indirect_vreg.gather [hbm4b:s5+s2], $0x80, v3, vm0, $0xb8;
	[tilespmem:$0x18200] =	vst v63  }
0x107: {  	v3 =	vld [tilespmem:$0x130];
	_ =	sdelay $0x4  }
0x108: {  	v59 =	vshrl.u32 v3, $0x3  }
0x109: {  	v4 =	vmul.u32 $0x30, v59  }
0x10a: {  	v3 =	vand.u32 $0x7, v3  }
0x10b: {  	v3 =	vor.u32 v3, v4  }
0x10c: {  	v4 =	vperm.xlane v3, v0;
	_ =	sdelay $0x1  }
0x10d: {  	v4 =	vadd.s32 v1, v4;
	_ =	sdelay $0x3  }
0x10e: {  	s13 =	simm.s32 $0x9200;
	v3 =	vperm.xlane v3, v2  }
0x10f: {  	[tilespmem:s13], [sflag:$0x1] =	stream.indirect_vreg.gather [hbm4b:s3+s2], $0x80, v4, vm0, $0xb8;
	[tilespmem:$0x18200] =	vst v63  }
0x110: {  	v3 =	vadd.s32 v1, v3;
	s13 =	simm.s32 $0x9A00  }
0x111: {  	[tilespmem:s13], [sflag:$0x1] =	stream.indirect_vreg.gather [hbm4b:s4+s2], $0x80, v4, vm0, $0xb8;
	[tilespmem:$0x18200] =	vst v63  }
0x112: {  	s13 =	simm.s32 $0xA200  }
0x113: {  	[tilespmem:s13], [sflag:$0x1] =	stream.indirect_vreg.gather [hbm4b:s5+s2], $0x80, v4, vm0, $0xb8;
	[tilespmem:$0x18200] =	vst v63  }
0x114: {  	s13 =	simm.s32 $0xAA00  }
0x115: {  	[tilespmem:s13], [sflag:$0x1] =	stream.indirect_vreg.gather [hbm4b:s3+s2], $0x80, v3, vm0, $0xb8;
	[tilespmem:$0x18200] =	vst v63  }
0x116: {  	s13 =	simm.s32 $0xB200  }
0x117: {  	[tilespmem:s13], [sflag:$0x1] =	stream.indirect_vreg.gather [hbm4b:s4+s2], $0x80, v3, vm0, $0xb8;
	[tilespmem:$0x18200] =	vst v63  }
0x118: {  	s13 =	simm.s32 $0xBA00  }
0x119: {  	[tilespmem:s13], [sflag:$0x1] =	stream.indirect_vreg.gather [hbm4b:s5+s2], $0x80, v3, vm0, $0xb8;
	[tilespmem:$0x18200] =	vst v63  }
0x11a: {  	_ =	swait.ge [sflag:s12], $0xC000  }
0x11b: {  	[sflag:s12] =	ssyncset.done $0x0  }
0x11c: {  	[sflag:s12] =	ssyncadd.s32 $0xFFFF4000  }
0x11d: {  	v3 =	vld [tilespmem:$0x180];
	_ =	sdelay $0x4  }
0x11e: {  	v60 =	vshrl.u32 v3, $0x3  }
0x11f: {  	v4 =	vmul.u32 $0x30, v60  }
0x120: {  	v3 =	vand.u32 $0x7, v3  }
0x121: {  	v3 =	vor.u32 v3, v4  }
0x122: {  	v4 =	vperm.xlane v3, v0;
	_ =	sdelay $0x1  }
0x123: {  	v4 =	vadd.s32 v1, v4;
	_ =	sdelay $0x3  }
0x124: {  	v3 =	vperm.xlane v3, v2  }
0x125: {  	[tilespmem:s0], [sflag:$0x2] =	stream.indirect_vreg.gather [hbm4b:s3+s2], $0x80, v4, vm0, $0xb8;
	[tilespmem:$0x18200] =	vst v63  }
0x126: {  	s13 =	simm.s32 $0xCA00;
	v3 =	vadd.s32 v1, v3  }
0x127: {  	[tilespmem:s13], [sflag:$0x2] =	stream.indirect_vreg.gather [hbm4b:s4+s2], $0x80, v4, vm0, $0xb8;
	[tilespmem:$0x18200] =	vst v63  }
0x128: {  	_ = 	snop  }
0x129: {  	[tilespmem:s8], [sflag:$0x2] =	stream.indirect_vreg.gather [hbm4b:s5+s2], $0x80, v4, vm0, $0xb8;
	[tilespmem:$0x18200] =	vst v63  }
0x12a: {  	_ = 	snop  }
0x12b: {  	[tilespmem:s15], [sflag:$0x2] =	stream.indirect_vreg.gather [hbm4b:s3+s2], $0x80, v3, vm0, $0xb8;
	[tilespmem:$0x18200] =	vst v63  }
0x12c: {  	_ = 	snop  }
0x12d: {  	[tilespmem:s16], [sflag:$0x2] =	stream.indirect_vreg.gather [hbm4b:s4+s2], $0x80, v3, vm0, $0xb8;
	[tilespmem:$0x18200] =	vst v63  }
0x12e: {  	_ = 	snop  }
0x12f: {  	[tilespmem:s17], [sflag:$0x2] =	stream.indirect_vreg.gather [hbm4b:s5+s2], $0x80, v3, vm0, $0xb8;
	[tilespmem:$0x18200] =	vst v63  }
0x130: {  	v3 =	vld [tilespmem:$0x190];
	_ =	sdelay $0x4  }
0x131: {  	v61 =	vshrl.u32 v3, $0x3  }
0x132: {  	v4 =	vmul.u32 $0x30, v61  }
0x133: {  	v3 =	vand.u32 $0x7, v3  }
0x134: {  	v3 =	vor.u32 v3, v4  }
0x135: {  	v4 =	vperm.xlane v3, v0;
	_ =	sdelay $0x1  }
0x136: {  	v4 =	vadd.s32 v1, v4;
	_ =	sdelay $0x3  }
0x137: {  	v3 =	vperm.xlane v3, v2  }
0x138: {  	[tilespmem:s18], [sflag:$0x2] =	stream.indirect_vreg.gather [hbm4b:s3+s2], $0x80, v4, vm0, $0xb8;
	[tilespmem:$0x18200] =	vst v63  }
0x139: {  	v3 =	vadd.s32 v1, v3  }
0x13a: {  	[tilespmem:s19], [sflag:$0x2] =	stream.indirect_vreg.gather [hbm4b:s4+s2], $0x80, v4, vm0, $0xb8;
	[tilespmem:$0x18200] =	vst v63  }
0x13b: {  	_ = 	snop  }
0x13c: {  	[tilespmem:s20], [sflag:$0x2] =	stream.indirect_vreg.gather [hbm4b:s5+s2], $0x80, v4, vm0, $0xb8;
	[tilespmem:$0x18200] =	vst v63  }
0x13d: {  	_ = 	snop  }
0x13e: {  	[tilespmem:s21], [sflag:$0x2] =	stream.indirect_vreg.gather [hbm4b:s3+s2], $0x80, v3, vm0, $0xb8;
	[tilespmem:$0x18200] =	vst v63  }
0x13f: {  	_ = 	snop  }
0x140: {  	[tilespmem:s22], [sflag:$0x2] =	stream.indirect_vreg.gather [hbm4b:s4+s2], $0x80, v3, vm0, $0xb8;
	[tilespmem:$0x18200] =	vst v63  }
0x141: {  	_ = 	snop  }
0x142: {  	[tilespmem:s23], [sflag:$0x2] =	stream.indirect_vreg.gather [hbm4b:s5+s2], $0x80, v3, vm0, $0xb8;
	[tilespmem:$0x18200] =	vst v63  }
0x143: {  	v3 =	vld [tilespmem:$0x1A0];
	_ =	sdelay $0x4  }
0x144: {  	v62 =	vshrl.u32 v3, $0x3  }
0x145: {  	v4 =	vmul.u32 $0x30, v62  }
0x146: {  	v3 =	vand.u32 $0x7, v3  }
0x147: {  	v3 =	vor.u32 v3, v4  }
0x148: {  	v4 =	vperm.xlane v3, v0;
	_ =	sdelay $0x1  }
0x149: {  	v4 =	vadd.s32 v1, v4;
	_ =	sdelay $0x3  }
0x14a: {  	v3 =	vperm.xlane v3, v2  }
0x14b: {  	[tilespmem:s24], [sflag:$0x2] =	stream.indirect_vreg.gather [hbm4b:s3+s2], $0x80, v4, vm0, $0xb8;
	[tilespmem:$0x18200] =	vst v63  }
0x14c: {  	v3 =	vadd.s32 v1, v3  }
0x14d: {  	[tilespmem:s25], [sflag:$0x2] =	stream.indirect_vreg.gather [hbm4b:s4+s2], $0x80, v4, vm0, $0xb8;
	[tilespmem:$0x18200] =	vst v63  }
0x14e: {  	_ = 	snop  }
0x14f: {  	[tilespmem:s26], [sflag:$0x2] =	stream.indirect_vreg.gather [hbm4b:s5+s2], $0x80, v4, vm0, $0xb8;
	[tilespmem:$0x18200] =	vst v63  }
0x150: {  	_ = 	snop  }
0x151: {  	[tilespmem:s28], [sflag:$0x2] =	stream.indirect_vreg.gather [hbm4b:s3+s2], $0x80, v3, vm0, $0xb8;
	[tilespmem:$0x18200] =	vst v63  }
0x152: {  	_ = 	snop  }
0x153: {  	[tilespmem:s29], [sflag:$0x2] =	stream.indirect_vreg.gather [hbm4b:s4+s2], $0x80, v3, vm0, $0xb8;
	[tilespmem:$0x18200] =	vst v63  }
0x154: {  	_ = 	snop  }
0x155: {  	[tilespmem:s30], [sflag:$0x2] =	stream.indirect_vreg.gather [hbm4b:s5+s2], $0x80, v3, vm0, $0xb8;
	[tilespmem:$0x18200] =	vst v63  }
0x156: {  	v3 =	vld [tilespmem:$0x1B0];
	_ =	sdelay $0x4  }
0x157: {  	v63 =	vshrl.u32 v3, $0x3  }
0x158: {  	v4 =	vmul.u32 $0x30, v63  }
0x159: {  	v3 =	vand.u32 $0x7, v3  }
0x15a: {  	v3 =	vor.u32 v3, v4  }
0x15b: {  	v4 =	vperm.xlane v3, v0;
	_ =	sdelay $0x1  }
0x15c: {  	v4 =	vadd.s32 v1, v4;
	_ =	sdelay $0x3  }
0x15d: {  	v3 =	vperm.xlane v3, v2  }
0x15e: {  	[tilespmem:s31], [sflag:$0x2] =	stream.indirect_vreg.gather [hbm4b:s3+s2], $0x80, v4, vm0, $0xb8;
	[tilespmem:$0x18200] =	vst v63  }
0x15f: {  	s13 =	simm.s32 $0x15A00;
	v3 =	vadd.s32 v1, v3  }
0x160: {  	[tilespmem:s13], [sflag:$0x2] =	stream.indirect_vreg.gather [hbm4b:s4+s2], $0x80, v4, vm0, $0xb8;
	[tilespmem:$0x18200] =	vst v63  }
0x161: {  	s13 =	simm.s32 $0x16200  }
0x162: {  	[tilespmem:s13], [sflag:$0x2] =	stream.indirect_vreg.gather [hbm4b:s5+s2], $0x80, v4, vm0, $0xb8;
	[tilespmem:$0x18200] =	vst v63  }
0x163: {  	s13 =	simm.s32 $0x16A00  }
0x164: {  	[tilespmem:s13], [sflag:$0x2] =	stream.indirect_vreg.gather [hbm4b:s3+s2], $0x80, v3, vm0, $0xb8;
	[tilespmem:$0x18200] =	vst v63  }
0x165: {  	s13 =	simm.s32 $0x17200  }
0x166: {  	[tilespmem:s13], [sflag:$0x2] =	stream.indirect_vreg.gather [hbm4b:s4+s2], $0x80, v3, vm0, $0xb8;
	[tilespmem:$0x18200] =	vst v63  }
0x167: {  	_ = 	snop  }
0x168: {  	[tilespmem:s1], [sflag:$0x2] =	stream.indirect_vreg.gather [hbm4b:s5+s2], $0x80, v3, vm0, $0xb8;
	[tilespmem:$0x18200] =	vst v63  }
0x169: {  	_ =	swait.ge [sflag:s9], $0xC000  }
0x16a: {  	[sflag:s9] =	ssyncset.done $0x0  }
0x16b: {  	s14 =	simm.s32 $0x200;
	s8 =	rddreg [dreg:$0x9];
	[sflag:s9] =	ssyncadd.s32 $0xFFFF4000  }
0x16c: {  	[hbm4b:s8+s2] =	stream.linear.scatter [tilespmem:s14], [sflag:$0x3], $0xC000, $0x38;
	[tilespmem:$0x18200] =	vst v63  }
0x16d: {  	_ =	swait.ge [sflag:s10], $0xC000  }
0x16e: {  	[sflag:s10] =	ssyncset.done $0x0  }
0x16f: {  	s14 =	rddreg [dreg:$0xa];
	[sflag:s10] =	ssyncadd.s32 $0xFFFF4000  }
0x170: {  	[hbm4b:s14+s2] =	stream.linear.scatter [tilespmem:s0], [sflag:$0x4], $0xC000, $0x38;
	[tilespmem:$0x18200] =	vst v63  }
0x171: {  	p0 =	sne.s32 s6, $0x1;
	_ =	swait.ge [sflag:s11], $0xC000  }
.Ltmp0:
0x172: {  	[sflag:s11] =	ssyncset.done $0x0;
	(pc) =	sbr.rel @p0 .LBB2_1-.Ltmp0, $4  }
0x173: {  	[sflag:s11] =	ssyncadd.s32 $0xFFFF4000  }
0x174: {  	_ =	swait.ge [sflag:s12], $0xC000  }
0x175: {  	[sflag:s12] =	ssyncset.done $0x0  }
0x176: {  	s6 =	sadd.s32 $0xFFFFFFFF, s6;
	[sflag:s12] =	ssyncadd.s32 $0xFFFF4000  }
0x177: {  	_ =	sfence.sel $0x180000  }
0x178: {  	[bflag:$0x0] =	sbarrier.arrive $0xFFFF  }
0x179: {  	_ =	strace $0x9000004A  }
0x17a: {  	s0 =	stileid.u32;
	[bflag:$0x2] =	sbarrier.arrive $0xFFFF  }
0x17b: {  	p0 =	sne.s32 s0, $0x0;
	s0 =	rddreg [dreg:$0x2]  }
0x17c: {  	s0 =	sadd.s32 @!p0 $0x100000, s0  }
0x17d: {  	[sflag:s0] =	ssyncadd.tile.s32 @!p0 $0x1;
	_ =	shalt  }
.Lfunc_end2:
_tile_overlayer_lowered:
.L_overlay_start_2:
0x17e: {  	(tag) =	ssettag $0x2  }
0x17f: {  	s0 =	rddreg [dreg:$0x0];
	s2 =	stileid.u32  }
0x180: {  	s1 =	rddreg [dreg:$0x1];
	p0 =	sne.s32 s2, $0x0  }
0x181: {  	s3 =	rddreg [dreg:$0x2];
	[bflag:$0x3] =	sbarrier.arrive $0xFFFF;
	s2 =	simm.s32 @!p0 $0x1C05  }
0x182: {  	[timem:s3], [sflag:s2] =	dma.local @!p0 [hbm:s0], s1  }
0x183: {  	s0 =	simm.s32 @!p0 $0x5  }
0x184: {  	_ =	swait.ge @!p0 [sflag:s0], s1  }
0x185: {  	s1 =	ssub.s32 @!p0 $0x0, s1;
	[sflag:s0] =	ssyncset.done @!p0 $0x0  }
0x186: {  	[sflag:s0] =	ssyncadd.s32 @!p0 s1  }
0x187: {  	[bflag:$0x3] =	sbarrier.arrive $0xFFFF  }
0x188: {  	_ =	shalt  }

// kernel: kernel.7.cloned.1.call-start
scs
__scs_entry_jumppad:
0x0: {  	(pc) =	sbr.rel $0x88, $3  }
0x1: {  	(tag) =	ssettag $0x0;
	lr =	simm.s32 $0x1  }
0x2: {  	[smem:$0x3F92] =	sst lr;
	_ =	strace $0xD0000000  }
0x3: {  	_ = 	snop  }
0x4: {  	_ = 	snop  }
0x5: {  	_ = 	snop  }
0x6: {  	_ = 	snop  }
0x7: {  	_ = 	snop  }
__scs_overlays_trampoline_lowered:
0x8: {  	[smem:$0x3FA1] =	sst s0  }
0x9: {  	[smem:$0x3FA2] =	sst s1  }
0xa: {  	[smem:$0x3FA3] =	sst s2  }
0xb: {  	[smem:$0x3FA4] =	sst s3  }
0xc: {  	[smem:$0x3FA5] =	sst s4  }
0xd: {  	[smem:$0x3FA6] =	sst s5  }
0xe: {  	[smem:$0x3FA7] =	sst s6  }
0xf: {  	[smem:$0x3FA8] =	sst s7  }
0x10: {  	[smem:$0x3FA9] =	sst s8  }
0x11: {  	[smem:$0x3FAA] =	sst s9;
	s0 =	simm.s32 @!p0 $0x0  }
0x12: {  	s1 =	sld [smem:$0x3F90];
	s0 =	simm.s32 @p0 $0x1  }
0x13: {  	[smem:$0x3FAB] =	sst s0;
	s0 =	simm.s32 @!p1 $0x0  }
0x14: {  	s2 =	sld [smem:$0x3F8F];
	s0 =	simm.s32 @p1 $0x1  }
0x15: {  	[smem:$0x3FAC] =	sst s0;
	s0 =	simm.s32 @!p2 $0x0  }
0x16: {  	s3 =	sld [smem:$0x3FDB];
	s0 =	simm.s32 @p2 $0x1  }
0x17: {  	s4 =	simm.s32 $0x1BF5;
	[smem:$0x3FAE] =	sst s0  }
0x18: {  	s0 =	sld [smem:$0x3F91];
	_ =	swait.ge [sflag:s4], $0x0  }
0x19: {  	s7 =	sld [smem:$0x3F92]  }
0x1a: {  	s8 =	sadd.s32 $0xFFFFE003, lr  }
0x1b: {  	s9 =	sadd.s32 $0xFFFFFEF7, lr;
	s5 =	simm.s32 $0xFFFFFFFF;
	p2 =	slt.u32 s8, $0xFFFFF086  }
0x1c: {  	p1 =	slt.u32 s9, $0xF7A;
	s5 =	simm.s32 @!p2 $0x0  }
0x1d: {  	s5 =	simm.s32 @p1 $0x1;
	p0 =	seq.s32 s7, s2  }
0x1e: {  	s7 =	smul.u32 @!p0 $0xF7A, s2;
	p2 =	seq.s32 @!p0 s5, $0x0  }
0x1f: {  	s9 =	smul.u32 $0xF7A, s1;
	s8 =	simm.s32 @!p0 $0x1BF5;
	p2 =	por !p2, p0  }
0x20: {  	[sflag:s8] =	ssyncset.s32 @!p0 $0xFFFFF086;
	s6 =	sadd.s32 @!p0 s3, s7;
	s7 =	simm.s32 @!p0 $0x108  }
0x21: {  	s3 =	sadd.s32 s3, s9;
	s6 =	sadd.s32 @!p0 $0x88, s6;
	s7 =	simm.s32 @p2 $0x1082  }
0x22: {  	[simem:s7], [sflag:s8] =	dma.local @!p0 [hbm:s6], $0xF7A  }
0x23: {  	s9 =	sor.u32 $0xD0000000, s2;
	s6 =	simm.s32 $0x108;
	_ =	swait.ge @!p0 [sflag:s8], $0x0  }
0x24: {  	s3 =	sadd.s32 $0x88, s3;
	s6 =	simm.s32 @!p1 $0x1082;
	[sflag:s4] =	ssyncset.s32 $0xFFFFF086  }
0x25: {  	[simem:s6], [sflag:s4] =	dma.local [hbm:s3], $0xF7A  }
0x26: {  	[smem:$0x3F92] =	sst s1;
	(tag) =	ssettag s2;
	_ =	strace s9  }
0x27: {  	s1 =	sld [smem:$0x3FA2]  }
0x28: {  	s2 =	sld [smem:$0x3FA3]  }
0x29: {  	s4 =	sld [smem:$0x3FA5]  }
0x2a: {  	p0 =	seq.s32 s5, $0x0;
	s5 =	sld [smem:$0x3FA6]  }
0x2b: {  	s6 =	sld [smem:$0x3FA7]  }
0x2c: {  	s7 =	sld [smem:$0x3FA8]  }
0x2d: {  	s3 =	simm.s32 $0x108;
	s8 =	sld [smem:$0x3FA9]  }
0x2e: {  	s3 =	simm.s32 @!p0 $0x1082;
	s9 =	sld [smem:$0x3FAA]  }
0x2f: {  	lr =	sadd.s32 s0, s3;
	s0 =	sld [smem:$0x3FA1]  }
0x30: {  	s3 =	sld [smem:$0x3FA4]  }
0x31: {  	[smem:$0x3FAD] =	sst s10  }
0x32: {  	s10 =	sld [smem:$0x3FAB];
	_ =	sdelay $0x3  }
0x33: {  	p0 =	seq.s32 s10, $0x1;
	s10 =	sld [smem:$0x3FAD];
	_ =	sdelay $0x3  }
0x34: {  	[smem:$0x3FAD] =	sst s10  }
0x35: {  	s10 =	sld [smem:$0x3FAC];
	_ =	sdelay $0x3  }
0x36: {  	p1 =	seq.s32 s10, $0x1;
	s10 =	sld [smem:$0x3FAD];
	_ =	sdelay $0x3  }
0x37: {  	[smem:$0x3FAD] =	sst s10  }
0x38: {  	s10 =	sld [smem:$0x3FAE]  }
0x39: {  	_ = 	snop;
	(pc) =	sbr.ind lr, $3  }
0x3a: {  	_ = 	snop  }
0x3b: {  	_ = 	snop  }
0x3c: {  	p2 =	seq.s32 s10, $0x1;
	s10 =	sld [smem:$0x3FAD]  }
0x3d: {  	_ =	shalt  }
0x3e: {  	_ =	shalt  }
0x3f: {  	_ =	shalt  }
0x40: {  	_ =	shalt  }
0x41: {  	_ =	shalt  }
0x42: {  	_ =	shalt  }
0x43: {  	_ =	shalt  }
0x44: {  	_ =	shalt  }
0x45: {  	_ =	shalt  }
0x46: {  	_ =	shalt  }
0x47: {  	_ =	shalt  }
0x48: {  	_ =	shalt  }
0x49: {  	_ =	shalt  }
0x4a: {  	_ =	shalt  }
0x4b: {  	_ =	shalt  }
0x4c: {  	_ =	shalt  }
0x4d: {  	_ =	shalt  }
0x4e: {  	_ =	shalt  }
0x4f: {  	_ =	shalt  }
0x50: {  	_ =	shalt  }
0x51: {  	_ =	shalt  }
0x52: {  	_ =	shalt  }
0x53: {  	_ =	shalt  }
0x54: {  	_ =	shalt  }
0x55: {  	_ =	shalt  }
0x56: {  	_ =	shalt  }
0x57: {  	_ =	shalt  }
0x58: {  	_ =	shalt  }
0x59: {  	_ =	shalt  }
0x5a: {  	_ =	shalt  }
0x5b: {  	_ =	shalt  }
0x5c: {  	_ =	shalt  }
0x5d: {  	_ =	shalt  }
0x5e: {  	_ =	shalt  }
0x5f: {  	_ =	shalt  }
0x60: {  	_ =	shalt  }
0x61: {  	_ =	shalt  }
0x62: {  	_ =	shalt  }
0x63: {  	_ =	shalt  }
0x64: {  	_ =	shalt  }
0x65: {  	_ =	shalt  }
0x66: {  	_ =	shalt  }
0x67: {  	_ =	shalt  }
0x68: {  	_ =	shalt  }
0x69: {  	_ =	shalt  }
0x6a: {  	_ =	shalt  }
0x6b: {  	_ =	shalt  }
0x6c: {  	_ =	shalt  }
0x6d: {  	_ =	shalt  }
0x6e: {  	_ =	shalt  }
0x6f: {  	_ =	shalt  }
0x70: {  	_ =	shalt  }
0x71: {  	_ =	shalt  }
0x72: {  	_ =	shalt  }
0x73: {  	_ =	shalt  }
0x74: {  	_ =	shalt  }
0x75: {  	_ =	shalt  }
0x76: {  	_ =	shalt  }
0x77: {  	_ =	shalt  }
0x78: {  	_ =	shalt  }
0x79: {  	_ =	shalt  }
0x7a: {  	_ =	shalt  }
0x7b: {  	_ =	shalt  }
0x7c: {  	_ =	shalt  }
0x7d: {  	_ =	shalt  }
0x7e: {  	_ =	shalt  }
0x7f: {  	_ =	shalt  }
0x80: {  	_ =	shalt  }
0x81: {  	_ =	shalt  }
0x82: {  	_ =	shalt  }
0x83: {  	_ =	shalt  }
0x84: {  	_ =	shalt  }
0x85: {  	_ =	shalt  }
0x86: {  	_ =	shalt  }
0x87: {  	_ =	shalt  }
.Lfunc_end0:
.L_simem_size_0:
called_computation_lowered:
.L_overlay_start_0:
0x88: {  	s2 =	sld [smem:$0x3FD9]  }
0x89: {  	s3 =	sld [smem:$0x3FFE];
	_ =	sdelay $0x1  }
0x8a: {  	s1 =	srdreg.scid  }
0x8b: {  	s0 =	sand.u32 $0x1, s1  }
0x8c: {  	s17 =	sshll.u32 s0, $0xA;
	s2 =	sadd.s32 s3, s2  }
0x8d: {  	s2 =	sadd.s32 s2, s17  }
0x8e: {  	[smem:$0x3FB9] =	sst s2  }
0x8f: {  	_ = 	snop  }
0x90: {  	s2 =	sld [smem:$0x3FC9];
	(tm) =	ssettm $0x1  }
0x91: {  	s18 =	sld [smem:$0x3FFB];
	_ =	sdelay $0x3  }
0x92: {  	_ =	strace s18  }
0x93: {  	s3 =	sld [smem:$0x3FFC];
	_ =	sdelay $0x3  }
0x94: {  	_ =	strace s3  }
0x95: {  	s3 =	sld [smem:$0x3FFD];
	_ =	sdelay $0x3  }
0x96: {  	_ =	strace s3  }
0x97: {  	_ =	strace $0x8FFFFFFF  }
0x98: {  	s19 =	sld [smem:$0x3FDB];
	_ =	sdelay $0x1  }
0x99: {  	s4 =	simm.s32 $_scs_section_size  }
0x9a: {  	s5 =	simm.s32 $_size__tile_overlayer_lowered;
	s6 =	simm.s32 $_tile_overlayer_lowered  }
0x9b: {  	s22 =	simm.s32 $0x1BFF;
	s21 =	sshll.u32 s6, $0x1;
	s3 =	sadd.s32 s4, s19  }
0x9c: {  	s7 =	simm.s32 $0x0;
	s20 =	sshll.u32 s5, $0x1;
	s5 =	sadd.s32 s21, s3  }
0x9d: {  	[timem:s7], [sflag:s22] =	dma.local [hbm:s5], s20  }
0x9e: {  	_ =	swait.ge [sflag:s22], s20  }
0x9f: {  	s4 =	ssub.s32 $0x0, s20;
	[sflag:s22] =	ssyncset.done $0x0  }
0xa0: {  	[sflag:s22] =	ssyncadd.s32 s4;
	_ =	sdelay $0x1  }
0xa1: {  	s23 =	simm.s32 $0x1B8B  }
0xa2: {  	_ =	swait.ge [sflag:s23], $0x1  }
0xa3: {  	[sflag:s23] =	ssyncset.done $0x0  }
0xa4: {  	s25 =	simm.s32 $0x1B8E;
	s24 =	sld [smem:$0x3FFE];
	[sflag:s23] =	ssyncadd.s32 $0xFFFFFFFF  }
0xa5: {  	s26 =	simm.s32 $execute0_lowered;
	[smem:$0x3FD2] =	sst s25  }
0xa6: {  	s5 =	sshll.u32 s26, $0x1;
	_ =	strace $0x80000046;
	[dreg:$0x1] =	wrdreg $0xFFFFFFFF  }
0xa7: {  	s28 =	simm.s32 $_size_execute0_lowered;
	s3 =	sadd.s32 s3, s5;
	[dreg:$0x0] =	wrdreg $0x0  }
0xa8: {  	s5 =	sshll.u32 s28, $0x1;
	[dreg:$0x2] =	wrdreg s3  }
0xa9: {  	[dreg:$0x3] =	wrdreg s5  }
0xaa: {  	[dreg:$0x4] =	wrdreg $0xC0  }
0xab: {  	_ =	task [dreg:s7], $0x5FFFF  }
0xac: {  	[dreg:$0x1] =	wrdreg $0xFFFFFFFF  }
0xad: {  	[dreg:$0x0] =	wrdreg $0x60  }
0xae: {  	[dreg:$0x2] =	wrdreg s2  }
0xaf: {  	[dreg:$0x3] =	wrdreg s24  }
0xb0: {  	[dreg:$0x4] =	wrdreg $0x9  }
0xb1: {  	_ =	task.clear_ibuf [dreg:s7], $0x5FFFF;
	_ =	strace $0x90000046  }
0xb2: {  	s29 =	simm.s32 $0x9;
	_ =	strace $0x80000048  }
0xb3: {  	_ =	swait.ge [sflag:s29], $0x1  }
0xb4: {  	[sflag:s29] =	ssyncadd.s32 $0xFFFFFFFF  }
0xb5: {  	_ =	strace $0x90000048  }
0xb6: {  	_ =	sfence  }
0xb7: {  	s30 =	sld [smem:$0x0];
	_ =	sdelay $0x2  }
0xb8: {  	s31 =	sshll.u32 s1, $0xD;
	s1 =	sshrl.u32 s1, $0x2  }
0xb9: {  	s3 =	sand.u32 $0x4000, s31;
	s1 =	sadd.s32 s1, s30  }
0xba: {  	s0 =	sor.u32 s3, s0;
	s1 =	sshll.u32 s1, $0x11  }
0xbb: {  	s0 =	sor.u32 s1, s0  }
0xbc: {  	s0 =	sadd.s32 $0x8F2B, s0  }
0xbd: {  	[sflag:s0] =	ssyncadd.remote.s32 $0x1  }
0xbe: {  	_ =	sfence.sel $0xFFFF  }
0xbf: {  	[dreg:$0x0] =	wrdreg $0xFFFFFFFF;
	(pc) =	sbr.abs _section_cstart, $3  }
0xc0: {  	[dreg:$0x1] =	wrdreg $0xFFFFFFFF  }
0xc1: {  	_ =	task.clear_ibuf [dreg:s7], $0x2FFFF;
	_ =	strace $0x9FFFFFFF  }
0xc2: {  	(tm) =	ssettm $0x7FFFFFFF  }
0xc3: {  	_ =	shalt  }
tec
execute0_lowered:
.L_overlay_start_1:
0x0: {  	(tag) =	ssettag $0x1  }
0x1: {  	s0 =	srdreg.scid;
	s1 =	rddreg [dreg:$0x0]  }
0x2: {  	s2 =	stileid.u32;
	s5 =	rddreg [dreg:$0x1];
	s26 =	simm.s32 $0x80  }
0x3: {  	s9 =	simm.s32 $0x100;
	s15 =	simm.s32 $0x1900;
	s16 =	simm.s32 $0x2100  }
0x4: {  	s17 =	simm.s32 $0x2900;
	s18 =	simm.s32 $0x3100;
	s19 =	simm.s32 $0x3900  }
0x5: {  	s20 =	simm.s32 $0x4100;
	s21 =	simm.s32 $0x4900;
	s22 =	simm.s32 $0x5100  }
0x6: {  	s28 =	simm.s32 $0x7900;
	s29 =	simm.s32 $0x8100;
	s30 =	simm.s32 $0x8900  }
0x7: {  	s31 =	simm.s32 $0x9100;
	s10 =	simm.s32 $0xA900;
	s7 =	simm.s32 $0xB100  }
0x8: {  	s11 =	simm.s32 $0xB900;
	s12 =	simm.s32 $0xC100;
	s0 =	sand.u32 $0x1, s0  }
0x9: {  	s8 =	simm.s32 $0xC900;
	s2 =	sshll.u32 s2, $0x5;
	s3 =	sshll.u32 s0, $0x4  }
0xa: {  	s0 =	ssub.s32 $0x2, s0;
	s3 =	sor.u32 s3, s2;
	s2 =	simm.s32 $0x0  }
0xb: {  	s24 =	sshrl.u32 s0, $0x1;
	s4 =	smul.u32 $0x300, s3;
	[smem:$0x7FF] =	sst s2  }
0xc: {  	s3 =	sadd.s32 s3, s5;
	s0 =	ssub.s32 s0, s24;
	s24 =	simm.s32 $0x6100  }
0xd: {  	_ =	strace $0x80000047;
	s23 =	sadd.s32 $0x1E00, s3;
	s25 =	sadd.s32 $0x2000, s3  }
0xe: {  	s3 =	sadd.s32 $0x2200, s5;
	s6 =	smax.u32 s0, $0x1;
	[dreg:$0x6] =	wrdreg s26  }
0xf: {  	v2 =	vlaneseq.u32;
	s26 =	simm.s32 $0x7100;
	s1 =	sadd.s32 s1, s4;
	[dreg:$0x4] =	wrdreg s23  }
0x10: {  	vm0 =	vmmov $0xffff;
	v1 =	vshrl.u32 v2, $0x3;
	[dreg:$0x5] =	wrdreg s25;
	s4 =	sadd.s32 $0x2300, s5;
	s5 =	sadd.s32 $0x2400, s5  }
0x11: {  	v0 =	vand.u32 $0x7, v2;
	v2 =	vor.u32 $0x8, v2;
	v1 =	vmul.u32 $0x8, v1;
	s23 =	simm.s32 $0x5900;
	s25 =	simm.s32 $0x6900;
	[dreg:$0x3] =	wrdreg s1  }
.LBB2_1:
0x12: {  	s13 =	rddreg [dreg:$0x3]  }
0x13: {  	[tilespmem:s9], [sflag:$0x1] =	stream.linear.gather [hbm4b:s13+s2], $0x18000, $0x38;
	[tilespmem:$0x18100] =	vst v63  }
0x14: {  	s14 =	rddreg [dreg:$0x4];
	s0 =	simm.s32 $0x4  }
0x15: {  	[tilespmem:s2], [sflag:$0x4] =	stream.linear.gather [hbm4b:s14+s2], $0x80, $0x38;
	[tilespmem:$0x18100] =	vst v63  }
0x16: {  	_ =	swait.ge [sflag:s0], $0x80  }
0x17: {  	s14 =	rddreg [dreg:$0x5];
	[sflag:s0] =	ssyncset.done $0x0  }
0x18: {  	s1 =	rddreg [dreg:$0x6];
	[sflag:s0] =	ssyncadd.s32 $0xFFFFFF80  }
0x19: {  	[tilespmem:s1], [sflag:$0x4] =	stream.linear.gather [hbm4b:s14+s2], $0x80, $0x38;
	[tilespmem:$0x18100] =	vst v63  }
0x1a: {  	_ =	swait.ge [sflag:s0], $0x80  }
0x1b: {  	[sflag:s0] =	ssyncset.done $0x0  }
0x1c: {  	s1 =	simm.s32 $0x1;
	[sflag:s0] =	ssyncadd.s32 $0xFFFFFF80  }
0x1d: {  	_ =	swait.ge [sflag:s1], $0x18000  }
0x1e: {  	[sflag:s1] =	ssyncset.done $0x0  }
0x1f: {  	[sflag:s1] =	ssyncadd.s32 $0xFFFE8000  }
0x20: {  	v3 =	vld [tilespmem:$0x0];
	_ =	sdelay $0x4  }
0x21: {  	v4 =	vshrl.u32 v3, $0x3  }
0x22: {  	v4 =	vmul.u32 $0x30, v4  }
0x23: {  	v3 =	vand.u32 $0x7, v3  }
0x24: {  	v3 =	vor.u32 v3, v4  }
0x25: {  	v4 =	vperm.xlane v3, v0;
	_ =	sdelay $0x1  }
0x26: {  	v4 =	vadd.s32 v1, v4;
	_ =	sdelay $0x3  }
0x27: {  	v3 =	vperm.xlane v3, v2  }
0x28: {  	[hbm4b:s3+s2] =	stream.indirect_vreg.scatter [tilespmem:s9], [sflag:$0x2], $0x80, v4, vm0, $0xb8;
	[tilespmem:$0x18100] =	vst v63  }
0x29: {  	s13 =	simm.s32 $0x900;
	v3 =	vadd.s32 v1, v3  }
0x2a: {  	[hbm4b:s4+s2] =	stream.indirect_vreg.scatter [tilespmem:s13], [sflag:$0x2], $0x80, v4, vm0, $0xb8;
	[tilespmem:$0x18100] =	vst v63  }
0x2b: {  	s14 =	simm.s32 $0x1100  }
0x2c: {  	[hbm4b:s5+s2] =	stream.indirect_vreg.scatter [tilespmem:s14], [sflag:$0x2], $0x80, v4, vm0, $0xb8;
	[tilespmem:$0x18100] =	vst v63  }
0x2d: {  	_ = 	snop  }
0x2e: {  	[hbm4b:s3+s2] =	stream.indirect_vreg.scatter [tilespmem:s15], [sflag:$0x2], $0x80, v3, vm0, $0xb8;
	[tilespmem:$0x18100] =	vst v63  }
0x2f: {  	_ = 	snop  }
0x30: {  	[hbm4b:s4+s2] =	stream.indirect_vreg.scatter [tilespmem:s16], [sflag:$0x2], $0x80, v3, vm0, $0xb8;
	[tilespmem:$0x18100] =	vst v63  }
0x31: {  	_ = 	snop  }
0x32: {  	[hbm4b:s5+s2] =	stream.indirect_vreg.scatter [tilespmem:s17], [sflag:$0x2], $0x80, v3, vm0, $0xb8;
	[tilespmem:$0x18100] =	vst v63  }
0x33: {  	v3 =	vld [tilespmem:$0x10];
	_ =	sdelay $0x4  }
0x34: {  	v49 =	vshrl.u32 v3, $0x3  }
0x35: {  	v4 =	vmul.u32 $0x30, v49  }
0x36: {  	v3 =	vand.u32 $0x7, v3  }
0x37: {  	v3 =	vor.u32 v3, v4  }
0x38: {  	v4 =	vperm.xlane v3, v0;
	_ =	sdelay $0x1  }
0x39: {  	v4 =	vadd.s32 v1, v4;
	_ =	sdelay $0x3  }
0x3a: {  	v3 =	vperm.xlane v3, v2  }
0x3b: {  	[hbm4b:s3+s2] =	stream.indirect_vreg.scatter [tilespmem:s18], [sflag:$0x2], $0x80, v4, vm0, $0xb8;
	[tilespmem:$0x18100] =	vst v63  }
0x3c: {  	v3 =	vadd.s32 v1, v3  }
0x3d: {  	[hbm4b:s4+s2] =	stream.indirect_vreg.scatter [tilespmem:s19], [sflag:$0x2], $0x80, v4, vm0, $0xb8;
	[tilespmem:$0x18100] =	vst v63  }
0x3e: {  	_ = 	snop  }
0x3f: {  	[hbm4b:s5+s2] =	stream.indirect_vreg.scatter [tilespmem:s20], [sflag:$0x2], $0x80, v4, vm0, $0xb8;
	[tilespmem:$0x18100] =	vst v63  }
0x40: {  	_ = 	snop  }
0x41: {  	[hbm4b:s3+s2] =	stream.indirect_vreg.scatter [tilespmem:s21], [sflag:$0x2], $0x80, v3, vm0, $0xb8;
	[tilespmem:$0x18100] =	vst v63  }
0x42: {  	_ = 	snop  }
0x43: {  	[hbm4b:s4+s2] =	stream.indirect_vreg.scatter [tilespmem:s22], [sflag:$0x2], $0x80, v3, vm0, $0xb8;
	[tilespmem:$0x18100] =	vst v63  }
0x44: {  	_ = 	snop  }
0x45: {  	[hbm4b:s5+s2] =	stream.indirect_vreg.scatter [tilespmem:s23], [sflag:$0x2], $0x80, v3, vm0, $0xb8;
	[tilespmem:$0x18100] =	vst v63  }
0x46: {  	v3 =	vld [tilespmem:$0x20];
	_ =	sdelay $0x4  }
0x47: {  	v50 =	vshrl.u32 v3, $0x3  }
0x48: {  	v4 =	vmul.u32 $0x30, v50  }
0x49: {  	v3 =	vand.u32 $0x7, v3  }
0x4a: {  	v3 =	vor.u32 v3, v4  }
0x4b: {  	v4 =	vperm.xlane v3, v0;
	_ =	sdelay $0x1  }
0x4c: {  	v4 =	vadd.s32 v1, v4;
	_ =	sdelay $0x3  }
0x4d: {  	v3 =	vperm.xlane v3, v2  }
0x4e: {  	[hbm4b:s3+s2] =	stream.indirect_vreg.scatter [tilespmem:s24], [sflag:$0x2], $0x80, v4, vm0, $0xb8;
	[tilespmem:$0x18100] =	vst v63  }
0x4f: {  	v3 =	vadd.s32 v1, v3  }
0x50: {  	[hbm4b:s4+s2] =	stream.indirect_vreg.scatter [tilespmem:s25], [sflag:$0x2], $0x80, v4, vm0, $0xb8;
	[tilespmem:$0x18100] =	vst v63  }
0x51: {  	_ = 	snop  }
0x52: {  	[hbm4b:s5+s2] =	stream.indirect_vreg.scatter [tilespmem:s26], [sflag:$0x2], $0x80, v4, vm0, $0xb8;
	[tilespmem:$0x18100] =	vst v63  }
0x53: {  	_ = 	snop  }
0x54: {  	[hbm4b:s3+s2] =	stream.indirect_vreg.scatter [tilespmem:s28], [sflag:$0x2], $0x80, v3, vm0, $0xb8;
	[tilespmem:$0x18100] =	vst v63  }
0x55: {  	_ = 	snop  }
0x56: {  	[hbm4b:s4+s2] =	stream.indirect_vreg.scatter [tilespmem:s29], [sflag:$0x2], $0x80, v3, vm0, $0xb8;
	[tilespmem:$0x18100] =	vst v63  }
0x57: {  	_ = 	snop  }
0x58: {  	[hbm4b:s5+s2] =	stream.indirect_vreg.scatter [tilespmem:s30], [sflag:$0x2], $0x80, v3, vm0, $0xb8;
	[tilespmem:$0x18100] =	vst v63  }
0x59: {  	v3 =	vld [tilespmem:$0x30];
	_ =	sdelay $0x4  }
0x5a: {  	v51 =	vshrl.u32 v3, $0x3  }
0x5b: {  	v4 =	vmul.u32 $0x30, v51  }
0x5c: {  	v3 =	vand.u32 $0x7, v3  }
0x5d: {  	v3 =	vor.u32 v3, v4  }
0x5e: {  	v4 =	vperm.xlane v3, v0;
	_ =	sdelay $0x1  }
0x5f: {  	v4 =	vadd.s32 v1, v4;
	_ =	sdelay $0x3  }
0x60: {  	v3 =	vperm.xlane v3, v2  }
0x61: {  	[hbm4b:s3+s2] =	stream.indirect_vreg.scatter [tilespmem:s31], [sflag:$0x2], $0x80, v4, vm0, $0xb8;
	[tilespmem:$0x18100] =	vst v63  }
0x62: {  	s1 =	simm.s32 $0x9900;
	v3 =	vadd.s32 v1, v3  }
0x63: {  	[hbm4b:s4+s2] =	stream.indirect_vreg.scatter [tilespmem:s1], [sflag:$0x2], $0x80, v4, vm0, $0xb8;
	[tilespmem:$0x18100] =	vst v63  }
0x64: {  	s0 =	simm.s32 $0xA100  }
0x65: {  	[hbm4b:s5+s2] =	stream.indirect_vreg.scatter [tilespmem:s0], [sflag:$0x2], $0x80, v4, vm0, $0xb8;
	[tilespmem:$0x18100] =	vst v63  }
0x66: {  	_ = 	snop  }
0x67: {  	[hbm4b:s3+s2] =	stream.indirect_vreg.scatter [tilespmem:s10], [sflag:$0x2], $0x80, v3, vm0, $0xb8;
	[tilespmem:$0x18100] =	vst v63  }
0x68: {  	_ = 	snop  }
0x69: {  	[hbm4b:s4+s2] =	stream.indirect_vreg.scatter [tilespmem:s7], [sflag:$0x2], $0x80, v3, vm0, $0xb8;
	[tilespmem:$0x18100] =	vst v63  }
0x6a: {  	_ = 	snop  }
0x6b: {  	[hbm4b:s5+s2] =	stream.indirect_vreg.scatter [tilespmem:s11], [sflag:$0x2], $0x80, v3, vm0, $0xb8;
	[tilespmem:$0x18100] =	vst v63  }
0x6c: {  	v3 =	vld [tilespmem:$0x40];
	_ =	sdelay $0x4  }
0x6d: {  	v52 =	vshrl.u32 v3, $0x3  }
0x6e: {  	v4 =	vmul.u32 $0x30, v52  }
0x6f: {  	v3 =	vand.u32 $0x7, v3  }
0x70: {  	v3 =	vor.u32 v3, v4  }
0x71: {  	v4 =	vperm.xlane v3, v0;
	_ =	sdelay $0x1  }
0x72: {  	v4 =	vadd.s32 v1, v4;
	_ =	sdelay $0x3  }
0x73: {  	v3 =	vperm.xlane v3, v2  }
0x74: {  	[hbm4b:s3+s2] =	stream.indirect_vreg.scatter [tilespmem:s12], [sflag:$0x2], $0x80, v4, vm0, $0xb8;
	[tilespmem:$0x18100] =	vst v63  }
0x75: {  	v3 =	vadd.s32 v1, v3  }
0x76: {  	[hbm4b:s4+s2] =	stream.indirect_vreg.scatter [tilespmem:s8], [sflag:$0x2], $0x80, v4, vm0, $0xb8;
	[tilespmem:$0x18100] =	vst v63  }
0x77: {  	s0 =	simm.s32 $0xD100  }
0x78: {  	[hbm4b:s5+s2] =	stream.indirect_vreg.scatter [tilespmem:s0], [sflag:$0x2], $0x80, v4, vm0, $0xb8;
	[tilespmem:$0x18100] =	vst v63  }
0x79: {  	s0 =	simm.s32 $0xD900  }
0x7a: {  	[hbm4b:s3+s2] =	stream.indirect_vreg.scatter [tilespmem:s0], [sflag:$0x2], $0x80, v3, vm0, $0xb8;
	[tilespmem:$0x18100] =	vst v63  }
0x7b: {  	s0 =	simm.s32 $0xE100  }
0x7c: {  	[hbm4b:s4+s2] =	stream.indirect_vreg.scatter [tilespmem:s0], [sflag:$0x2], $0x80, v3, vm0, $0xb8;
	[tilespmem:$0x18100] =	vst v63  }
0x7d: {  	s0 =	simm.s32 $0xE900  }
0x7e: {  	[hbm4b:s5+s2] =	stream.indirect_vreg.scatter [tilespmem:s0], [sflag:$0x2], $0x80, v3, vm0, $0xb8;
	[tilespmem:$0x18100] =	vst v63  }
0x7f: {  	v3 =	vld [tilespmem:$0x50];
	_ =	sdelay $0x4  }
0x80: {  	v53 =	vshrl.u32 v3, $0x3  }
0x81: {  	v4 =	vmul.u32 $0x30, v53  }
0x82: {  	v3 =	vand.u32 $0x7, v3  }
0x83: {  	v3 =	vor.u32 v3, v4  }
0x84: {  	v4 =	vperm.xlane v3, v0;
	_ =	sdelay $0x1  }
0x85: {  	v4 =	vadd.s32 v1, v4;
	_ =	sdelay $0x3  }
0x86: {  	s0 =	simm.s32 $0xF100;
	v3 =	vperm.xlane v3, v2  }
0x87: {  	[hbm4b:s3+s2] =	stream.indirect_vreg.scatter [tilespmem:s0], [sflag:$0x2], $0x80, v4, vm0, $0xb8;
	[tilespmem:$0x18100] =	vst v63  }
0x88: {  	v3 =	vadd.s32 v1, v3;
	s0 =	simm.s32 $0xF900  }
0x89: {  	[hbm4b:s4+s2] =	stream.indirect_vreg.scatter [tilespmem:s0], [sflag:$0x2], $0x80, v4, vm0, $0xb8;
	[tilespmem:$0x18100] =	vst v63  }
0x8a: {  	s0 =	simm.s32 $0x10100  }
0x8b: {  	[hbm4b:s5+s2] =	stream.indirect_vreg.scatter [tilespmem:s0], [sflag:$0x2], $0x80, v4, vm0, $0xb8;
	[tilespmem:$0x18100] =	vst v63  }
0x8c: {  	s0 =	simm.s32 $0x10900  }
0x8d: {  	[hbm4b:s3+s2] =	stream.indirect_vreg.scatter [tilespmem:s0], [sflag:$0x2], $0x80, v3, vm0, $0xb8;
	[tilespmem:$0x18100] =	vst v63  }
0x8e: {  	s0 =	simm.s32 $0x11100  }
0x8f: {  	[hbm4b:s4+s2] =	stream.indirect_vreg.scatter [tilespmem:s0], [sflag:$0x2], $0x80, v3, vm0, $0xb8;
	[tilespmem:$0x18100] =	vst v63  }
0x90: {  	s0 =	simm.s32 $0x11900  }
0x91: {  	[hbm4b:s5+s2] =	stream.indirect_vreg.scatter [tilespmem:s0], [sflag:$0x2], $0x80, v3, vm0, $0xb8;
	[tilespmem:$0x18100] =	vst v63  }
0x92: {  	v3 =	vld [tilespmem:$0x60];
	_ =	sdelay $0x4  }
0x93: {  	v54 =	vshrl.u32 v3, $0x3  }
0x94: {  	v4 =	vmul.u32 $0x30, v54  }
0x95: {  	v3 =	vand.u32 $0x7, v3  }
0x96: {  	v3 =	vor.u32 v3, v4  }
0x97: {  	v4 =	vperm.xlane v3, v0;
	_ =	sdelay $0x1  }
0x98: {  	v4 =	vadd.s32 v1, v4;
	_ =	sdelay $0x3  }
0x99: {  	s0 =	simm.s32 $0x12100;
	v3 =	vperm.xlane v3, v2  }
0x9a: {  	[hbm4b:s3+s2] =	stream.indirect_vreg.scatter [tilespmem:s0], [sflag:$0x2], $0x80, v4, vm0, $0xb8;
	[tilespmem:$0x18100] =	vst v63  }
0x9b: {  	v3 =	vadd.s32 v1, v3;
	s0 =	simm.s32 $0x12900  }
0x9c: {  	[hbm4b:s4+s2] =	stream.indirect_vreg.scatter [tilespmem:s0], [sflag:$0x2], $0x80, v4, vm0, $0xb8;
	[tilespmem:$0x18100] =	vst v63  }
0x9d: {  	s0 =	simm.s32 $0x13100  }
0x9e: {  	[hbm4b:s5+s2] =	stream.indirect_vreg.scatter [tilespmem:s0], [sflag:$0x2], $0x80, v4, vm0, $0xb8;
	[tilespmem:$0x18100] =	vst v63  }
0x9f: {  	s0 =	simm.s32 $0x13900  }
0xa0: {  	[hbm4b:s3+s2] =	stream.indirect_vreg.scatter [tilespmem:s0], [sflag:$0x2], $0x80, v3, vm0, $0xb8;
	[tilespmem:$0x18100] =	vst v63  }
0xa1: {  	s0 =	simm.s32 $0x14100  }
0xa2: {  	[hbm4b:s4+s2] =	stream.indirect_vreg.scatter [tilespmem:s0], [sflag:$0x2], $0x80, v3, vm0, $0xb8;
	[tilespmem:$0x18100] =	vst v63  }
0xa3: {  	s0 =	simm.s32 $0x14900  }
0xa4: {  	[hbm4b:s5+s2] =	stream.indirect_vreg.scatter [tilespmem:s0], [sflag:$0x2], $0x80, v3, vm0, $0xb8;
	[tilespmem:$0x18100] =	vst v63  }
0xa5: {  	v3 =	vld [tilespmem:$0x70];
	_ =	sdelay $0x4  }
0xa6: {  	v55 =	vshrl.u32 v3, $0x3  }
0xa7: {  	v4 =	vmul.u32 $0x30, v55  }
0xa8: {  	v3 =	vand.u32 $0x7, v3  }
0xa9: {  	v3 =	vor.u32 v3, v4  }
0xaa: {  	v4 =	vperm.xlane v3, v0;
	_ =	sdelay $0x1  }
0xab: {  	v4 =	vadd.s32 v1, v4;
	_ =	sdelay $0x3  }
0xac: {  	s0 =	simm.s32 $0x15100;
	v3 =	vperm.xlane v3, v2  }
0xad: {  	[hbm4b:s3+s2] =	stream.indirect_vreg.scatter [tilespmem:s0], [sflag:$0x2], $0x80, v4, vm0, $0xb8;
	[tilespmem:$0x18100] =	vst v63  }
0xae: {  	v3 =	vadd.s32 v1, v3;
	s0 =	simm.s32 $0x15900  }
0xaf: {  	[hbm4b:s4+s2] =	stream.indirect_vreg.scatter [tilespmem:s0], [sflag:$0x2], $0x80, v4, vm0, $0xb8;
	[tilespmem:$0x18100] =	vst v63  }
0xb0: {  	s0 =	simm.s32 $0x16100  }
0xb1: {  	[hbm4b:s5+s2] =	stream.indirect_vreg.scatter [tilespmem:s0], [sflag:$0x2], $0x80, v4, vm0, $0xb8;
	[tilespmem:$0x18100] =	vst v63  }
0xb2: {  	s0 =	simm.s32 $0x16900  }
0xb3: {  	[hbm4b:s3+s2] =	stream.indirect_vreg.scatter [tilespmem:s0], [sflag:$0x2], $0x80, v3, vm0, $0xb8;
	[tilespmem:$0x18100] =	vst v63  }
0xb4: {  	s0 =	simm.s32 $0x17100  }
0xb5: {  	[hbm4b:s4+s2] =	stream.indirect_vreg.scatter [tilespmem:s0], [sflag:$0x2], $0x80, v3, vm0, $0xb8;
	[tilespmem:$0x18100] =	vst v63  }
0xb6: {  	s0 =	simm.s32 $0x17900  }
0xb7: {  	[hbm4b:s5+s2] =	stream.indirect_vreg.scatter [tilespmem:s0], [sflag:$0x2], $0x80, v3, vm0, $0xb8;
	[tilespmem:$0x18100] =	vst v63  }
0xb8: {  	v3 =	vld [tilespmem:$0x80];
	_ =	sdelay $0x4  }
0xb9: {  	v56 =	vshrl.u32 v3, $0x3  }
0xba: {  	v4 =	vmul.u32 $0x30, v56  }
0xbb: {  	v3 =	vand.u32 $0x7, v3  }
0xbc: {  	v3 =	vor.u32 v3, v4  }
0xbd: {  	v4 =	vperm.xlane v3, v0;
	_ =	sdelay $0x1  }
0xbe: {  	v4 =	vadd.s32 v1, v4;
	_ =	sdelay $0x3  }
0xbf: {  	v3 =	vperm.xlane v3, v2  }
0xc0: {  	[hbm4b:s3+s2] =	stream.indirect_vreg.scatter [tilespmem:s9], [sflag:$0x3], $0x80, v4, vm0, $0xb8;
	[tilespmem:$0x18100] =	vst v63  }
0xc1: {  	v3 =	vadd.s32 v1, v3  }
0xc2: {  	[hbm4b:s4+s2] =	stream.indirect_vreg.scatter [tilespmem:s13], [sflag:$0x3], $0x80, v4, vm0, $0xb8;
	[tilespmem:$0x18100] =	vst v63  }
0xc3: {  	_ = 	snop  }
0xc4: {  	[hbm4b:s5+s2] =	stream.indirect_vreg.scatter [tilespmem:s14], [sflag:$0x3], $0x80, v4, vm0, $0xb8;
	[tilespmem:$0x18100] =	vst v63  }
0xc5: {  	_ = 	snop  }
0xc6: {  	[hbm4b:s3+s2] =	stream.indirect_vreg.scatter [tilespmem:s15], [sflag:$0x3], $0x80, v3, vm0, $0xb8;
	[tilespmem:$0x18100] =	vst v63  }
0xc7: {  	_ = 	snop  }
0xc8: {  	[hbm4b:s4+s2] =	stream.indirect_vreg.scatter [tilespmem:s16], [sflag:$0x3], $0x80, v3, vm0, $0xb8;
	[tilespmem:$0x18100] =	vst v63  }
0xc9: {  	_ = 	snop  }
0xca: {  	[hbm4b:s5+s2] =	stream.indirect_vreg.scatter [tilespmem:s17], [sflag:$0x3], $0x80, v3, vm0, $0xb8;
	[tilespmem:$0x18100] =	vst v63  }
0xcb: {  	v3 =	vld [tilespmem:$0x90];
	_ =	sdelay $0x4  }
0xcc: {  	v57 =	vshrl.u32 v3, $0x3  }
0xcd: {  	v4 =	vmul.u32 $0x30, v57  }
0xce: {  	v3 =	vand.u32 $0x7, v3  }
0xcf: {  	v3 =	vor.u32 v3, v4  }
0xd0: {  	v4 =	vperm.xlane v3, v0;
	_ =	sdelay $0x1  }
0xd1: {  	v4 =	vadd.s32 v1, v4;
	_ =	sdelay $0x3  }
0xd2: {  	v3 =	vperm.xlane v3, v2  }
0xd3: {  	[hbm4b:s3+s2] =	stream.indirect_vreg.scatter [tilespmem:s18], [sflag:$0x3], $0x80, v4, vm0, $0xb8;
	[tilespmem:$0x18100] =	vst v63  }
0xd4: {  	v3 =	vadd.s32 v1, v3  }
0xd5: {  	[hbm4b:s4+s2] =	stream.indirect_vreg.scatter [tilespmem:s19], [sflag:$0x3], $0x80, v4, vm0, $0xb8;
	[tilespmem:$0x18100] =	vst v63  }
0xd6: {  	_ = 	snop  }
0xd7: {  	[hbm4b:s5+s2] =	stream.indirect_vreg.scatter [tilespmem:s20], [sflag:$0x3], $0x80, v4, vm0, $0xb8;
	[tilespmem:$0x18100] =	vst v63  }
0xd8: {  	_ = 	snop  }
0xd9: {  	[hbm4b:s3+s2] =	stream.indirect_vreg.scatter [tilespmem:s21], [sflag:$0x3], $0x80, v3, vm0, $0xb8;
	[tilespmem:$0x18100] =	vst v63  }
0xda: {  	_ = 	snop  }
0xdb: {  	[hbm4b:s4+s2] =	stream.indirect_vreg.scatter [tilespmem:s22], [sflag:$0x3], $0x80, v3, vm0, $0xb8;
	[tilespmem:$0x18100] =	vst v63  }
0xdc: {  	_ = 	snop  }
0xdd: {  	[hbm4b:s5+s2] =	stream.indirect_vreg.scatter [tilespmem:s23], [sflag:$0x3], $0x80, v3, vm0, $0xb8;
	[tilespmem:$0x18100] =	vst v63  }
0xde: {  	v3 =	vld [tilespmem:$0xA0];
	_ =	sdelay $0x4  }
0xdf: {  	v58 =	vshrl.u32 v3, $0x3  }
0xe0: {  	v4 =	vmul.u32 $0x30, v58  }
0xe1: {  	v3 =	vand.u32 $0x7, v3  }
0xe2: {  	v3 =	vor.u32 v3, v4  }
0xe3: {  	v4 =	vperm.xlane v3, v0;
	_ =	sdelay $0x1  }
0xe4: {  	v4 =	vadd.s32 v1, v4;
	_ =	sdelay $0x3  }
0xe5: {  	v3 =	vperm.xlane v3, v2  }
0xe6: {  	[hbm4b:s3+s2] =	stream.indirect_vreg.scatter [tilespmem:s24], [sflag:$0x3], $0x80, v4, vm0, $0xb8;
	[tilespmem:$0x18100] =	vst v63  }
0xe7: {  	v3 =	vadd.s32 v1, v3  }
0xe8: {  	[hbm4b:s4+s2] =	stream.indirect_vreg.scatter [tilespmem:s25], [sflag:$0x3], $0x80, v4, vm0, $0xb8;
	[tilespmem:$0x18100] =	vst v63  }
0xe9: {  	_ = 	snop  }
0xea: {  	[hbm4b:s5+s2] =	stream.indirect_vreg.scatter [tilespmem:s26], [sflag:$0x3], $0x80, v4, vm0, $0xb8;
	[tilespmem:$0x18100] =	vst v63  }
0xeb: {  	_ = 	snop  }
0xec: {  	[hbm4b:s3+s2] =	stream.indirect_vreg.scatter [tilespmem:s28], [sflag:$0x3], $0x80, v3, vm0, $0xb8;
	[tilespmem:$0x18100] =	vst v63  }
0xed: {  	_ = 	snop  }
0xee: {  	[hbm4b:s4+s2] =	stream.indirect_vreg.scatter [tilespmem:s29], [sflag:$0x3], $0x80, v3, vm0, $0xb8;
	[tilespmem:$0x18100] =	vst v63  }
0xef: {  	_ = 	snop  }
0xf0: {  	[hbm4b:s5+s2] =	stream.indirect_vreg.scatter [tilespmem:s30], [sflag:$0x3], $0x80, v3, vm0, $0xb8;
	[tilespmem:$0x18100] =	vst v63  }
0xf1: {  	v3 =	vld [tilespmem:$0xB0];
	_ =	sdelay $0x4  }
0xf2: {  	v59 =	vshrl.u32 v3, $0x3  }
0xf3: {  	v4 =	vmul.u32 $0x30, v59  }
0xf4: {  	v3 =	vand.u32 $0x7, v3  }
0xf5: {  	v3 =	vor.u32 v3, v4  }
0xf6: {  	v4 =	vperm.xlane v3, v0;
	_ =	sdelay $0x1  }
0xf7: {  	v4 =	vadd.s32 v1, v4;
	_ =	sdelay $0x3  }
0xf8: {  	v3 =	vperm.xlane v3, v2  }
0xf9: {  	[hbm4b:s3+s2] =	stream.indirect_vreg.scatter [tilespmem:s31], [sflag:$0x3], $0x80, v4, vm0, $0xb8;
	[tilespmem:$0x18100] =	vst v63  }
0xfa: {  	v3 =	vadd.s32 v1, v3  }
0xfb: {  	[hbm4b:s4+s2] =	stream.indirect_vreg.scatter [tilespmem:s1], [sflag:$0x3], $0x80, v4, vm0, $0xb8;
	[tilespmem:$0x18100] =	vst v63  }
0xfc: {  	s13 =	simm.s32 $0xA100  }
0xfd: {  	[hbm4b:s5+s2] =	stream.indirect_vreg.scatter [tilespmem:s13], [sflag:$0x3], $0x80, v4, vm0, $0xb8;
	[tilespmem:$0x18100] =	vst v63  }
0xfe: {  	_ = 	snop  }
0xff: {  	[hbm4b:s3+s2] =	stream.indirect_vreg.scatter [tilespmem:s10], [sflag:$0x3], $0x80, v3, vm0, $0xb8;
	[tilespmem:$0x18100] =	vst v63  }
0x100: {  	_ = 	snop  }
0x101: {  	[hbm4b:s4+s2] =	stream.indirect_vreg.scatter [tilespmem:s7], [sflag:$0x3], $0x80, v3, vm0, $0xb8;
	[tilespmem:$0x18100] =	vst v63  }
0x102: {  	_ = 	snop  }
0x103: {  	[hbm4b:s5+s2] =	stream.indirect_vreg.scatter [tilespmem:s11], [sflag:$0x3], $0x80, v3, vm0, $0xb8;
	[tilespmem:$0x18100] =	vst v63  }
0x104: {  	v3 =	vld [tilespmem:$0xC0];
	_ =	sdelay $0x4  }
0x105: {  	v60 =	vshrl.u32 v3, $0x3  }
0x106: {  	v4 =	vmul.u32 $0x30, v60  }
0x107: {  	v3 =	vand.u32 $0x7, v3  }
0x108: {  	v3 =	vor.u32 v3, v4  }
0x109: {  	v4 =	vperm.xlane v3, v0;
	_ =	sdelay $0x1  }
0x10a: {  	v4 =	vadd.s32 v1, v4;
	_ =	sdelay $0x3  }
0x10b: {  	v3 =	vperm.xlane v3, v2  }
0x10c: {  	[hbm4b:s3+s2] =	stream.indirect_vreg.scatter [tilespmem:s12], [sflag:$0x3], $0x80, v4, vm0, $0xb8;
	[tilespmem:$0x18100] =	vst v63  }
0x10d: {  	v3 =	vadd.s32 v1, v3  }
0x10e: {  	[hbm4b:s4+s2] =	stream.indirect_vreg.scatter [tilespmem:s8], [sflag:$0x3], $0x80, v4, vm0, $0xb8;
	[tilespmem:$0x18100] =	vst v63  }
0x10f: {  	s14 =	simm.s32 $0xD100  }
0x110: {  	[hbm4b:s5+s2] =	stream.indirect_vreg.scatter [tilespmem:s14], [sflag:$0x3], $0x80, v4, vm0, $0xb8;
	[tilespmem:$0x18100] =	vst v63  }
0x111: {  	s13 =	simm.s32 $0xD900  }
0x112: {  	[hbm4b:s3+s2] =	stream.indirect_vreg.scatter [tilespmem:s13], [sflag:$0x3], $0x80, v3, vm0, $0xb8;
	[tilespmem:$0x18100] =	vst v63  }
0x113: {  	s14 =	simm.s32 $0xE100  }
0x114: {  	[hbm4b:s4+s2] =	stream.indirect_vreg.scatter [tilespmem:s14], [sflag:$0x3], $0x80, v3, vm0, $0xb8;
	[tilespmem:$0x18100] =	vst v63  }
0x115: {  	s13 =	simm.s32 $0xE900  }
0x116: {  	[hbm4b:s5+s2] =	stream.indirect_vreg.scatter [tilespmem:s13], [sflag:$0x3], $0x80, v3, vm0, $0xb8;
	[tilespmem:$0x18100] =	vst v63  }
0x117: {  	v3 =	vld [tilespmem:$0xD0];
	_ =	sdelay $0x4  }
0x118: {  	v61 =	vshrl.u32 v3, $0x3  }
0x119: {  	v4 =	vmul.u32 $0x30, v61  }
0x11a: {  	v3 =	vand.u32 $0x7, v3  }
0x11b: {  	v3 =	vor.u32 v3, v4  }
0x11c: {  	v4 =	vperm.xlane v3, v0;
	_ =	sdelay $0x1  }
0x11d: {  	v4 =	vadd.s32 v1, v4;
	_ =	sdelay $0x3  }
0x11e: {  	s14 =	simm.s32 $0xF100;
	v3 =	vperm.xlane v3, v2  }
0x11f: {  	[hbm4b:s3+s2] =	stream.indirect_vreg.scatter [tilespmem:s14], [sflag:$0x3], $0x80, v4, vm0, $0xb8;
	[tilespmem:$0x18100] =	vst v63  }
0x120: {  	s13 =	simm.s32 $0xF900;
	v3 =	vadd.s32 v1, v3  }
0x121: {  	[hbm4b:s4+s2] =	stream.indirect_vreg.scatter [tilespmem:s13], [sflag:$0x3], $0x80, v4, vm0, $0xb8;
	[tilespmem:$0x18100] =	vst v63  }
0x122: {  	s14 =	simm.s32 $0x10100  }
0x123: {  	[hbm4b:s5+s2] =	stream.indirect_vreg.scatter [tilespmem:s14], [sflag:$0x3], $0x80, v4, vm0, $0xb8;
	[tilespmem:$0x18100] =	vst v63  }
0x124: {  	s13 =	simm.s32 $0x10900  }
0x125: {  	[hbm4b:s3+s2] =	stream.indirect_vreg.scatter [tilespmem:s13], [sflag:$0x3], $0x80, v3, vm0, $0xb8;
	[tilespmem:$0x18100] =	vst v63  }
0x126: {  	s14 =	simm.s32 $0x11100  }
0x127: {  	[hbm4b:s4+s2] =	stream.indirect_vreg.scatter [tilespmem:s14], [sflag:$0x3], $0x80, v3, vm0, $0xb8;
	[tilespmem:$0x18100] =	vst v63  }
0x128: {  	s13 =	simm.s32 $0x11900  }
0x129: {  	[hbm4b:s5+s2] =	stream.indirect_vreg.scatter [tilespmem:s13], [sflag:$0x3], $0x80, v3, vm0, $0xb8;
	[tilespmem:$0x18100] =	vst v63  }
0x12a: {  	v3 =	vld [tilespmem:$0xE0];
	_ =	sdelay $0x4  }
0x12b: {  	v62 =	vshrl.u32 v3, $0x3  }
0x12c: {  	v4 =	vmul.u32 $0x30, v62  }
0x12d: {  	v3 =	vand.u32 $0x7, v3  }
0x12e: {  	v3 =	vor.u32 v3, v4  }
0x12f: {  	v4 =	vperm.xlane v3, v0;
	_ =	sdelay $0x1  }
0x130: {  	v4 =	vadd.s32 v1, v4;
	_ =	sdelay $0x3  }
0x131: {  	s14 =	simm.s32 $0x12100;
	v3 =	vperm.xlane v3, v2  }
0x132: {  	[hbm4b:s3+s2] =	stream.indirect_vreg.scatter [tilespmem:s14], [sflag:$0x3], $0x80, v4, vm0, $0xb8;
	[tilespmem:$0x18100] =	vst v63  }
0x133: {  	s13 =	simm.s32 $0x12900;
	v3 =	vadd.s32 v1, v3  }
0x134: {  	[hbm4b:s4+s2] =	stream.indirect_vreg.scatter [tilespmem:s13], [sflag:$0x3], $0x80, v4, vm0, $0xb8;
	[tilespmem:$0x18100] =	vst v63  }
0x135: {  	s14 =	simm.s32 $0x13100  }
0x136: {  	[hbm4b:s5+s2] =	stream.indirect_vreg.scatter [tilespmem:s14], [sflag:$0x3], $0x80, v4, vm0, $0xb8;
	[tilespmem:$0x18100] =	vst v63  }
0x137: {  	s13 =	simm.s32 $0x13900  }
0x138: {  	[hbm4b:s3+s2] =	stream.indirect_vreg.scatter [tilespmem:s13], [sflag:$0x3], $0x80, v3, vm0, $0xb8;
	[tilespmem:$0x18100] =	vst v63  }
0x139: {  	s14 =	simm.s32 $0x14100  }
0x13a: {  	[hbm4b:s4+s2] =	stream.indirect_vreg.scatter [tilespmem:s14], [sflag:$0x3], $0x80, v3, vm0, $0xb8;
	[tilespmem:$0x18100] =	vst v63  }
0x13b: {  	s13 =	simm.s32 $0x14900  }
0x13c: {  	[hbm4b:s5+s2] =	stream.indirect_vreg.scatter [tilespmem:s13], [sflag:$0x3], $0x80, v3, vm0, $0xb8;
	[tilespmem:$0x18100] =	vst v63  }
0x13d: {  	v3 =	vld [tilespmem:$0xF0];
	_ =	sdelay $0x4  }
0x13e: {  	v63 =	vshrl.u32 v3, $0x3  }
0x13f: {  	v4 =	vmul.u32 $0x30, v63  }
0x140: {  	v3 =	vand.u32 $0x7, v3  }
0x141: {  	v3 =	vor.u32 v3, v4  }
0x142: {  	v4 =	vperm.xlane v3, v0;
	_ =	sdelay $0x1  }
0x143: {  	v4 =	vadd.s32 v1, v4;
	_ =	sdelay $0x3  }
0x144: {  	s14 =	simm.s32 $0x15100;
	v3 =	vperm.xlane v3, v2  }
0x145: {  	[hbm4b:s3+s2] =	stream.indirect_vreg.scatter [tilespmem:s14], [sflag:$0x3], $0x80, v4, vm0, $0xb8;
	[tilespmem:$0x18100] =	vst v63  }
0x146: {  	s13 =	simm.s32 $0x15900;
	v3 =	vadd.s32 v1, v3  }
0x147: {  	[hbm4b:s4+s2] =	stream.indirect_vreg.scatter [tilespmem:s13], [sflag:$0x3], $0x80, v4, vm0, $0xb8;
	[tilespmem:$0x18100] =	vst v63  }
0x148: {  	s14 =	simm.s32 $0x16100  }
0x149: {  	[hbm4b:s5+s2] =	stream.indirect_vreg.scatter [tilespmem:s14], [sflag:$0x3], $0x80, v4, vm0, $0xb8;
	[tilespmem:$0x18100] =	vst v63  }
0x14a: {  	s13 =	simm.s32 $0x16900  }
0x14b: {  	[hbm4b:s3+s2] =	stream.indirect_vreg.scatter [tilespmem:s13], [sflag:$0x3], $0x80, v3, vm0, $0xb8;
	[tilespmem:$0x18100] =	vst v63  }
0x14c: {  	s14 =	simm.s32 $0x17100  }
0x14d: {  	[hbm4b:s4+s2] =	stream.indirect_vreg.scatter [tilespmem:s14], [sflag:$0x3], $0x80, v3, vm0, $0xb8;
	[tilespmem:$0x18100] =	vst v63  }
0x14e: {  	s13 =	simm.s32 $0x2  }
0x14f: {  	[hbm4b:s5+s2] =	stream.indirect_vreg.scatter [tilespmem:s0], [sflag:$0x3], $0x80, v3, vm0, $0xb8;
	[tilespmem:$0x18100] =	vst v63  }
0x150: {  	p0 =	sne.s32 s6, $0x1;
	_ =	swait.ge [sflag:s13], $0x18000  }
.Ltmp0:
0x151: {  	[sflag:s13] =	ssyncset.done $0x0;
	(pc) =	sbr.rel @p0 .LBB2_1-.Ltmp0, $4  }
0x152: {  	s14 =	simm.s32 $0x3;
	[sflag:s13] =	ssyncadd.s32 $0xFFFE8000  }
0x153: {  	_ =	swait.ge [sflag:s14], $0x18000  }
0x154: {  	[sflag:s14] =	ssyncset.done $0x0  }
0x155: {  	s6 =	sadd.s32 $0xFFFFFFFF, s6;
	[sflag:s14] =	ssyncadd.s32 $0xFFFE8000  }
0x156: {  	_ =	sfence.sel $0x180000  }
0x157: {  	[bflag:$0x0] =	sbarrier.arrive $0xFFFF  }
0x158: {  	_ =	strace $0x90000047  }
0x159: {  	s0 =	stileid.u32;
	[bflag:$0x2] =	sbarrier.arrive $0xFFFF  }
0x15a: {  	p0 =	sne.s32 s0, $0x0;
	s0 =	rddreg [dreg:$0x2]  }
0x15b: {  	s0 =	sadd.s32 @!p0 $0x100000, s0  }
0x15c: {  	[sflag:s0] =	ssyncadd.tile.s32 @!p0 $0x1;
	_ =	shalt  }
.Lfunc_end2:
_tile_overlayer_lowered:
.L_overlay_start_2:
0x15d: {  	(tag) =	ssettag $0x2  }
0x15e: {  	s0 =	rddreg [dreg:$0x0];
	s2 =	stileid.u32  }
0x15f: {  	s1 =	rddreg [dreg:$0x1];
	p0 =	sne.s32 s2, $0x0  }
0x160: {  	s3 =	rddreg [dreg:$0x2];
	[bflag:$0x3] =	sbarrier.arrive $0xFFFF;
	s2 =	simm.s32 @!p0 $0x1C04  }
0x161: {  	[timem:s3], [sflag:s2] =	dma.local @!p0 [hbm:s0], s1  }
0x162: {  	s0 =	simm.s32 @!p0 $0x4  }
0x163: {  	_ =	swait.ge @!p0 [sflag:s0], s1  }
0x164: {  	s1 =	ssub.s32 @!p0 $0x0, s1;
	[sflag:s0] =	ssyncset.done @!p0 $0x0  }
0x165: {  	[sflag:s0] =	ssyncadd.s32 @!p0 s1  }
0x166: {  	[bflag:$0x3] =	sbarrier.arrive $0xFFFF  }
0x167: {  	_ =	shalt  }

</sc_bundles>
